<compile_context>
chip_gen: v7x
topology: tpu7x:2x2x1
jax: 0.10.2.dev20260603
libtpu: 0.0.44.dev20260713+nightly
codegen_flags: <defaults>
</compile_context>

<pallas_src>
import functools

import jax
import jax.numpy as jnp
from jax import lax
from jax.experimental import pallas as pl
from jax.experimental.pallas import tpu as pltpu
from jax.experimental.pallas import tpu_sc as plsc

_N = 16384
_H = 256
_NG = 256
_ZMAX = 100
_B = 4096
_K = 1
_NH = _N // _K

_NC = 2
_NS = 16
_NW = _NC * _NS
_CHUNK = _NH // _NW

_DN0 = (((0,), (0,)), ((), ()))


def _dot0(a, b):
    return lax.dot_general(a, b, _DN0, preferred_element_type=jnp.float32)


def _head_body(z_ref, posT_ref, emb_ref, Wp_ref, Wv_ref, Wo1_ref,
               Wo2_ref, W1_ref, out_ref, embW1_ref):
    i = pl.program_id(0)

    @pl.when(i == 0)
    def _():
        embW1_ref[...] = jnp.dot(emb_ref[...], W1_ref[...],
                                 preferred_element_type=jnp.float32)

    zrow = z_ref[...].reshape(1, _B)
    ohT = (zrow == jax.lax.broadcasted_iota(jnp.int32, (_ZMAX, _B), 0)
           ).astype(jnp.bfloat16)
    posT = posT_ref[...]
    xT = _dot0(embW1_ref[...].astype(jnp.bfloat16), ohT)
    xT = xT + _dot0(Wp_ref[...], posT)
    xT = xT * jax.nn.sigmoid(xT)
    uT = _dot0(Wv_ref[...].astype(jnp.bfloat16), xT.astype(jnp.bfloat16))
    pos2 = jnp.sum(posT * posT, axis=0, keepdims=True)
    gT = xT + pos2 * (uT * uT)
    sT = _dot0(Wo1_ref[...].astype(jnp.bfloat16), gT.astype(jnp.bfloat16))
    sT = sT * jax.nn.sigmoid(sT)
    out_ref[...] = _dot0(Wo2_ref[...], sT).reshape(1, 1, _B)


def _head(z3, posT, emb, Wp, Wv, Wo1, Wo2, W1, k):
    nbh = _NH // _B
    off = k * nbh
    return pl.pallas_call(
        _head_body,
        grid=(nbh,),
        in_specs=[
            pl.BlockSpec((1, 1, _B), lambda i: (i + off, 0, 0)),
            pl.BlockSpec((3, _B), lambda i: (0, i + off)),
            pl.BlockSpec((_ZMAX, _H), lambda i: (0, 0)),
            pl.BlockSpec((3, _H), lambda i: (0, 0)),
            pl.BlockSpec((_H, _H), lambda i: (0, 0)),
            pl.BlockSpec((_H, _H // 2), lambda i: (0, 0)),
            pl.BlockSpec((_H // 2, 1), lambda i: (0, 0)),
            pl.BlockSpec((_H, _H), lambda i: (0, 0)),
        ],
        out_specs=pl.BlockSpec((1, 1, _B), lambda i: (i, 0, 0)),
        out_shape=jax.ShapeDtypeStruct((nbh, 1, _B), jnp.float32),
        scratch_shapes=[pltpu.VMEM((_ZMAX, _H), jnp.float32)],
    )(z3, posT, emb, Wp, Wv, Wo1, Wo2, W1)


def _segsum_body(pa_hbm, batch_hbm, idx0_hbm, out_hbm,
                 vals_v, ids_v, acc_v, idx0_v, shared, *, k):
    c = lax.axis_index("c")
    s = lax.axis_index("s")
    wid = s * _NC + c
    base = wid * _CHUNK
    pltpu.sync_copy(pa_hbm.at[pl.ds(base, _CHUNK)], vals_v)
    pltpu.sync_copy(batch_hbm.at[pl.ds(k * _NH + base, _CHUNK)], ids_v)
    pltpu.sync_copy(idx0_hbm, idx0_v)

    zero = jnp.zeros((16,), jnp.float32)
    for j in range(_NG // 16):
        acc_v[0, pl.ds(j * 16, 16)] = zero

    @pl.when(s == 0)
    def _():
        pltpu.sync_copy(acc_v, shared)

    plsc.subcore_barrier()

    row0 = jnp.zeros((16,), jnp.int32)
    for i in range(_CHUNK // 16):
        vals = vals_v[pl.ds(i * 16, 16)]
        idx = ids_v[pl.ds(i * 16, 16)]
        plsc.addupdate_scatter(acc_v, [row0, idx], vals)

    pltpu.sync_copy(acc_v, shared.at[idx0_v], add=True)
    plsc.subcore_barrier()

    @pl.when(s == 0)
    def _():
        pltpu.sync_copy(shared.at[0], out_hbm.at[c])


def _segsum(pa, batch, idx0, k):
    mesh = plsc.VectorSubcoreMesh(core_axis_name="c", subcore_axis_name="s")
    f = functools.partial(
        pl.kernel,
        mesh=mesh,
        compiler_params=pltpu.CompilerParams(needs_layout_passes=False),
        out_type=jax.ShapeDtypeStruct((_NC, _NG), jnp.float32),
        scratch_types=[
            pltpu.VMEM((_CHUNK,), jnp.float32),
            pltpu.VMEM((_CHUNK,), jnp.int32),
            pltpu.VMEM((1, _NG), jnp.float32),
            pltpu.VMEM((1,), jnp.int32),
            pltpu.VMEM_SHARED((1, _NG), jnp.float32),
        ],
    )(functools.partial(_segsum_body, k=k))
    return f(pa, batch, idx0)


def kernel(z, pos, batch, emb, Wp, W1, Wv, Wo1, Wo2):
    z3 = z.astype(jnp.int32).reshape(_N // _B, 1, _B)
    posT = pos.T
    batch32 = batch.astype(jnp.int32)
    idx0 = jnp.zeros((1,), jnp.int32)
    partials = []
    for k in range(_K):
        pa = _head(z3, posT, emb, Wp, Wv, Wo1, Wo2, W1, k)
        partials.append(_segsum(pa.reshape(_NH), batch32, idx0, k))
    acc = partials[0]
    for p in partials[1:]:
        acc = acc + p
    return (acc[0] + acc[1]).reshape(_NG, 1)

# --- scband reference (transcript-rebuilt; emitter-appended) ---
"""Pipeline reference for scband-vi-snet-42812234006605 (READ-ONLY COPY).

The authoritative reference and input builder live on the scoring server;
editing this copy changes nothing except your own understanding.
"""

import jax, jax.numpy as jnp
import numpy as np

N = 16384      # total atoms
H = 256        # hidden_channels of representation model
NG = 256       # number of graphs (molecules) in batch
ZMAX = 100     # atomic-number vocabulary


def setup_inputs(seed: int = 0) -> dict:
    key = jax.random.key(seed)
    ks = jax.random.split(key, 10)
    z = jax.random.randint(ks[0], (N,), 0, ZMAX)
    pos = jax.random.normal(ks[1], (N, 3), dtype=jnp.float32)
    batch = jnp.sort(jax.random.randint(ks[2], (N,), 0, NG))
    # learned parameters of the representation / output submodules
    emb = jax.random.normal(ks[3], (ZMAX, H), dtype=jnp.float32) * 0.1
    Wp = jax.random.normal(ks[4], (3, H), dtype=jnp.float32) * 0.1
    W1 = jax.random.normal(ks[5], (H, H), dtype=jnp.float32) * (1.0 / np.sqrt(H))
    Wv = jax.random.normal(ks[6], (H, H), dtype=jnp.float32) * (1.0 / np.sqrt(H))
    Wo1 = jax.random.normal(ks[7], (H, H // 2), dtype=jnp.float32) * (1.0 / np.sqrt(H))
    Wo2 = jax.random.normal(ks[8], (H // 2, 1), dtype=jnp.float32) * (1.0 / np.sqrt(H // 2))
    return {"z": z, "pos": pos, "batch": batch, "emb": emb, "Wp": Wp,
            "W1": W1, "Wv": Wv, "Wo1": Wo1, "Wo2": Wo2}


def reference(z, pos, batch, emb, Wp, W1, Wv, Wo1, Wo2):
    mean = jnp.float32(0.0)
    std = jnp.float32(1.0)
    # --- representation_model(data) -> (x, v) ---
    h = emb[z]                                   # embedding gather [N, H]
    x = jax.nn.silu(h @ W1 + pos @ Wp)           # scalar features [N, H]
    v = pos[:, :, None] * x[:, None, :]          # vector features [N, 3, H]
    # --- output_model.pre_reduce(x, v, z, pos, batch) (gated-equivariant scalar head) ---
    vproj = v @ Wv                               # [N, 3, H]
    vnorm = jnp.sum(vproj * vproj, axis=1)       # invariant [N, H]
    s = jax.nn.silu((x + vnorm) @ Wo1)           # [N, H//2]
    per_atom = s @ Wo2                           # [N, 1]
    # --- x = x * std ---
    per_atom = per_atom * std
    # --- scatter(x, batch, dim=0, reduce='add') ---
    out = jax.ops.segment_sum(per_atom, batch, num_segments=NG)  # [NG, 1]
    # --- post_reduce (identity) + mean ---
    out = out + mean
    return out

if __name__ == "__main__":
    import jax
    _d = setup_inputs()
    print(jax.jit(kernel)(*tuple(_d.values())))

</pallas_src>

<mosaic_0001>
#map = affine_map<(d0, d1) -> (0)>
#map1 = affine_map<(d0, d1) -> (0, 0)>
module attributes {stable_mosaic.version = 14 : i64} {
  func.func @_segsum_body(%arg0: i32, %arg1: i32, %arg2: memref<16384xf32, #tpu.memory_space<hbm>>, %arg3: memref<16384xi32, #tpu.memory_space<hbm>>, %arg4: memref<1xi32, #tpu.memory_space<hbm>>, %arg5: memref<2x256xf32, #tpu.memory_space<hbm>>, %arg6: memref<512xf32, #tpu.memory_space<vmem>>, %arg7: memref<512xi32, #tpu.memory_space<vmem>>, %arg8: memref<1x256xf32, #tpu.memory_space<vmem>>, %arg9: memref<1xi32, #tpu.memory_space<vmem>>, %arg10: memref<1x256xf32, #tpu.memory_space<vmem_shared>>) attributes {dimension_semantics = [#tpu.dimension_semantics<core_parallel>, #tpu.dimension_semantics<subcore_parallel>], iteration_bounds = array<i64: 2, 16>, scalar_prefetch = 0 : i64, scratch_operands = 5 : i64, tpu.core_type = #tpu.core_type<sc_vector_subcore>, window_params = [{transform_indices = #map}, {transform_indices = #map}, {transform_indices = #map}, {transform_indices = #map1}]} {
    %mul3A = arith.constant 2 : i32
    %mul3A_0 = arith.muli %arg1, %mul3A : i32
    %add3A = arith.addi %mul3A_0, %arg0 : i32
    %mul3A_1 = arith.constant 512 : i32
    %mul3A_2 = arith.muli %add3A, %mul3A_1 : i32
    "tpu.region"() ({
      %run_scoped3A = tpu.sem_alloc : memref<!tpu.dma_semaphore, #tpu.memory_space<semaphore_mem>>
      %dma_start3A = tpu.memref_slice %arg2[%mul3A_2] : memref<16384xf32, #tpu.memory_space<hbm>> -> memref<512xf32, #tpu.memory_space<hbm>>
      %dma_start3A_206 = tpu.memref_slice %arg2[%mul3A_2] : memref<16384xf32, #tpu.memory_space<hbm>> -> memref<512xf32, #tpu.memory_space<hbm>>
      tpu.enqueue_dma source(%dma_start3A_206 : memref<512xf32, #tpu.memory_space<hbm>>) target(%arg6 : memref<512xf32, #tpu.memory_space<vmem>>) target_semaphore(%run_scoped3A : memref<!tpu.dma_semaphore, #tpu.memory_space<semaphore_mem>>)
      %dma_wait3A = tpu.memref_slice %arg2[%mul3A_2] : memref<16384xf32, #tpu.memory_space<hbm>> -> memref<512xf32, #tpu.memory_space<hbm>>
      %dma_wait3A_207 = tpu.memref_slice %arg2[%mul3A_2] : memref<16384xf32, #tpu.memory_space<hbm>> -> memref<512xf32, #tpu.memory_space<hbm>>
      tpu.wait_dma2 semaphore(%run_scoped3A : memref<!tpu.dma_semaphore, #tpu.memory_space<semaphore_mem>>) src(%dma_wait3A_207 : memref<512xf32, #tpu.memory_space<hbm>>) dst(%arg6 : memref<512xf32, #tpu.memory_space<vmem>>)
      tpu.yield
    }) : () -> ()
    %add3A_3 = arith.constant 0 : i32
    %add3A_4 = arith.addi %add3A_3, %mul3A_2 : i32
    "tpu.region"() ({
      %run_scoped3A = tpu.sem_alloc : memref<!tpu.dma_semaphore, #tpu.memory_space<semaphore_mem>>
      %dma_start3A = tpu.memref_slice %arg3[%add3A_4] : memref<16384xi32, #tpu.memory_space<hbm>> -> memref<512xi32, #tpu.memory_space<hbm>>
      %dma_start3A_206 = tpu.memref_slice %arg3[%add3A_4] : memref<16384xi32, #tpu.memory_space<hbm>> -> memref<512xi32, #tpu.memory_space<hbm>>
      tpu.enqueue_dma source(%dma_start3A_206 : memref<512xi32, #tpu.memory_space<hbm>>) target(%arg7 : memref<512xi32, #tpu.memory_space<vmem>>) target_semaphore(%run_scoped3A : memref<!tpu.dma_semaphore, #tpu.memory_space<semaphore_mem>>)
      %dma_wait3A = tpu.memref_slice %arg3[%add3A_4] : memref<16384xi32, #tpu.memory_space<hbm>> -> memref<512xi32, #tpu.memory_space<hbm>>
      %dma_wait3A_207 = tpu.memref_slice %arg3[%add3A_4] : memref<16384xi32, #tpu.memory_space<hbm>> -> memref<512xi32, #tpu.memory_space<hbm>>
      tpu.wait_dma2 semaphore(%run_scoped3A : memref<!tpu.dma_semaphore, #tpu.memory_space<semaphore_mem>>) src(%dma_wait3A_207 : memref<512xi32, #tpu.memory_space<hbm>>) dst(%arg7 : memref<512xi32, #tpu.memory_space<vmem>>)
      tpu.yield
    }) : () -> ()
    "tpu.region"() ({
      %run_scoped3A = tpu.sem_alloc : memref<!tpu.dma_semaphore, #tpu.memory_space<semaphore_mem>>
      tpu.enqueue_dma source(%arg4 : memref<1xi32, #tpu.memory_space<hbm>>) target(%arg9 : memref<1xi32, #tpu.memory_space<vmem>>) target_semaphore(%run_scoped3A : memref<!tpu.dma_semaphore, #tpu.memory_space<semaphore_mem>>)
      tpu.wait_dma2 semaphore(%run_scoped3A : memref<!tpu.dma_semaphore, #tpu.memory_space<semaphore_mem>>) src(%arg4 : memref<1xi32, #tpu.memory_space<hbm>>) dst(%arg9 : memref<1xi32, #tpu.memory_space<vmem>>)
      tpu.yield
    }) : () -> ()
    %broadcast_in_dim3A = arith.constant 0.000000e+00 : f32
    %broadcast_in_dim3A_5 = vector.broadcast %broadcast_in_dim3A : f32 to vector<16xf32>
    %swap3A = arith.constant 0 : i32
    %swap3A_6 = arith.index_cast %swap3A : i32 to index
    %swap3A_7 = arith.constant 0 : index
    %swap3A_8 = tpu.vector_load %arg8[%swap3A_6, %swap3A_7] {strides = array<i32>} : memref<1x256xf32, #tpu.memory_space<vmem>>, vector<16xf32>,
    tpu.vector_store %arg8[%swap3A_6, %swap3A_7], %broadcast_in_dim3A_5 {strides = array<i32>} : memref<1x256xf32, #tpu.memory_space<vmem>>, vector<16xf32>,
    %swap3A_9 = arith.constant 0 : i32
    %swap3A_10 = arith.index_cast %swap3A_9 : i32 to index
    %swap3A_11 = arith.constant 16 : index
    %swap3A_12 = tpu.vector_load %arg8[%swap3A_10, %swap3A_11] {strides = array<i32>} : memref<1x256xf32, #tpu.memory_space<vmem>>, vector<16xf32>,
    tpu.vector_store %arg8[%swap3A_10, %swap3A_11], %broadcast_in_dim3A_5 {strides = array<i32>} : memref<1x256xf32, #tpu.memory_space<vmem>>, vector<16xf32>,
    %swap3A_13 = arith.constant 0 : i32
    %swap3A_14 = arith.index_cast %swap3A_13 : i32 to index
    %swap3A_15 = arith.constant 32 : index
    %swap3A_16 = tpu.vector_load %arg8[%swap3A_14, %swap3A_15] {strides = array<i32>} : memref<1x256xf32, #tpu.memory_space<vmem>>, vector<16xf32>,
    tpu.vector_store %arg8[%swap3A_14, %swap3A_15], %broadcast_in_dim3A_5 {strides = array<i32>} : memref<1x256xf32, #tpu.memory_space<vmem>>, vector<16xf32>,
    %swap3A_17 = arith.constant 0 : i32
    %swap3A_18 = arith.index_cast %swap3A_17 : i32 to index
    %swap3A_19 = arith.constant 48 : index
    %swap3A_20 = tpu.vector_load %arg8[%swap3A_18, %swap3A_19] {strides = array<i32>} : memref<1x256xf32, #tpu.memory_space<vmem>>, vector<16xf32>,
    tpu.vector_store %arg8[%swap3A_18, %swap3A_19], %broadcast_in_dim3A_5 {strides = array<i32>} : memref<1x256xf32, #tpu.memory_space<vmem>>, vector<16xf32>,
    %swap3A_21 = arith.constant 0 : i32
    %swap3A_22 = arith.index_cast %swap3A_21 : i32 to index
    %swap3A_23 = arith.constant 64 : index
    %swap3A_24 = tpu.vector_load %arg8[%swap3A_22, %swap3A_23] {strides = array<i32>} : memref<1x256xf32, #tpu.memory_space<vmem>>, vector<16xf32>,
    tpu.vector_store %arg8[%swap3A_22, %swap3A_23], %broadcast_in_dim3A_5 {strides = array<i32>} : memref<1x256xf32, #tpu.memory_space<vmem>>, vector<16xf32>,
    %swap3A_25 = arith.constant 0 : i32
    %swap3A_26 = arith.index_cast %swap3A_25 : i32 to index
    %swap3A_27 = arith.constant 80 : index
    %swap3A_28 = tpu.vector_load %arg8[%swap3A_26, %swap3A_27] {strides = array<i32>} : memref<1x256xf32, #tpu.memory_space<vmem>>, vector<16xf32>,
    tpu.vector_store %arg8[%swap3A_26, %swap3A_27], %broadcast_in_dim3A_5 {strides = array<i32>} : memref<1x256xf32, #tpu.memory_space<vmem>>, vector<16xf32>,
    %swap3A_29 = arith.constant 0 : i32
    %swap3A_30 = arith.index_cast %swap3A_29 : i32 to index
    %swap3A_31 = arith.constant 96 : index
    %swap3A_32 = tpu.vector_load %arg8[%swap3A_30, %swap3A_31] {strides = array<i32>} : memref<1x256xf32, #tpu.memory_space<vmem>>, vector<16xf32>,
    tpu.vector_store %arg8[%swap3A_30, %swap3A_31], %broadcast_in_dim3A_5 {strides = array<i32>} : memref<1x256xf32, #tpu.memory_space<vmem>>, vector<16xf32>,
    %swap3A_33 = arith.constant 0 : i32
    %swap3A_34 = arith.index_cast %swap3A_33 : i32 to index
    %swap3A_35 = arith.constant 112 : index
    %swap3A_36 = tpu.vector_load %arg8[%swap3A_34, %swap3A_35] {strides = array<i32>} : memref<1x256xf32, #tpu.memory_space<vmem>>, vector<16xf32>,
    tpu.vector_store %arg8[%swap3A_34, %swap3A_35], %broadcast_in_dim3A_5 {strides = array<i32>} : memref<1x256xf32, #tpu.memory_space<vmem>>, vector<16xf32>,
    %swap3A_37 = arith.constant 0 : i32
    %swap3A_38 = arith.index_cast %swap3A_37 : i32 to index
    %swap3A_39 = arith.constant 128 : index
    %swap3A_40 = tpu.vector_load %arg8[%swap3A_38, %swap3A_39] {strides = array<i32>} : memref<1x256xf32, #tpu.memory_space<vmem>>, vector<16xf32>,
    tpu.vector_store %arg8[%swap3A_38, %swap3A_39], %broadcast_in_dim3A_5 {strides = array<i32>} : memref<1x256xf32, #tpu.memory_space<vmem>>, vector<16xf32>,
    %swap3A_41 = arith.constant 0 : i32
    %swap3A_42 = arith.index_cast %swap3A_41 : i32 to index
    %swap3A_43 = arith.constant 144 : index
    %swap3A_44 = tpu.vector_load %arg8[%swap3A_42, %swap3A_43] {strides = array<i32>} : memref<1x256xf32, #tpu.memory_space<vmem>>, vector<16xf32>,
    tpu.vector_store %arg8[%swap3A_42, %swap3A_43], %broadcast_in_dim3A_5 {strides = array<i32>} : memref<1x256xf32, #tpu.memory_space<vmem>>, vector<16xf32>,
    %swap3A_45 = arith.constant 0 : i32
    %swap3A_46 = arith.index_cast %swap3A_45 : i32 to index
    %swap3A_47 = arith.constant 160 : index
    %swap3A_48 = tpu.vector_load %arg8[%swap3A_46, %swap3A_47] {strides = array<i32>} : memref<1x256xf32, #tpu.memory_space<vmem>>, vector<16xf32>,
    tpu.vector_store %arg8[%swap3A_46, %swap3A_47], %broadcast_in_dim3A_5 {strides = array<i32>} : memref<1x256xf32, #tpu.memory_space<vmem>>, vector<16xf32>,
    %swap3A_49 = arith.constant 0 : i32
    %swap3A_50 = arith.index_cast %swap3A_49 : i32 to index
    %swap3A_51 = arith.constant 176 : index
    %swap3A_52 = tpu.vector_load %arg8[%swap3A_50, %swap3A_51] {strides = array<i32>} : memref<1x256xf32, #tpu.memory_space<vmem>>, vector<16xf32>,
    tpu.vector_store %arg8[%swap3A_50, %swap3A_51], %broadcast_in_dim3A_5 {strides = array<i32>} : memref<1x256xf32, #tpu.memory_space<vmem>>, vector<16xf32>,
    %swap3A_53 = arith.constant 0 : i32
    %swap3A_54 = arith.index_cast %swap3A_53 : i32 to index
    %swap3A_55 = arith.constant 192 : index
    %swap3A_56 = tpu.vector_load %arg8[%swap3A_54, %swap3A_55] {strides = array<i32>} : memref<1x256xf32, #tpu.memory_space<vmem>>, vector<16xf32>,
    tpu.vector_store %arg8[%swap3A_54, %swap3A_55], %broadcast_in_dim3A_5 {strides = array<i32>} : memref<1x256xf32, #tpu.memory_space<vmem>>, vector<16xf32>,
    %swap3A_57 = arith.constant 0 : i32
    %swap3A_58 = arith.index_cast %swap3A_57 : i32 to index
    %swap3A_59 = arith.constant 208 : index
    %swap3A_60 = tpu.vector_load %arg8[%swap3A_58, %swap3A_59] {strides = array<i32>} : memref<1x256xf32, #tpu.memory_space<vmem>>, vector<16xf32>,
    tpu.vector_store %arg8[%swap3A_58, %swap3A_59], %broadcast_in_dim3A_5 {strides = array<i32>} : memref<1x256xf32, #tpu.memory_space<vmem>>, vector<16xf32>,
    %swap3A_61 = arith.constant 0 : i32
    %swap3A_62 = arith.index_cast %swap3A_61 : i32 to index
    %swap3A_63 = arith.constant 224 : index
    %swap3A_64 = tpu.vector_load %arg8[%swap3A_62, %swap3A_63] {strides = array<i32>} : memref<1x256xf32, #tpu.memory_space<vmem>>, vector<16xf32>,
    tpu.vector_store %arg8[%swap3A_62, %swap3A_63], %broadcast_in_dim3A_5 {strides = array<i32>} : memref<1x256xf32, #tpu.memory_space<vmem>>, vector<16xf32>,
    %swap3A_65 = arith.constant 0 : i32
    %swap3A_66 = arith.index_cast %swap3A_65 : i32 to index
    %swap3A_67 = arith.constant 240 : index
    %swap3A_68 = tpu.vector_load %arg8[%swap3A_66, %swap3A_67] {strides = array<i32>} : memref<1x256xf32, #tpu.memory_space<vmem>>, vector<16xf32>,
    tpu.vector_store %arg8[%swap3A_66, %swap3A_67], %broadcast_in_dim3A_5 {strides = array<i32>} : memref<1x256xf32, #tpu.memory_space<vmem>>, vector<16xf32>,
    %eq3A = arith.constant 0 : i32
    %eq3A_69 = arith.cmpi eq, %arg1, %eq3A : i32
    %convert_element_type3A = arith.extui %eq3A_69 : i1 to i32
    %cond3A = arith.constant 0 : i32
    %cond3A_70 = arith.cmpi ne, %convert_element_type3A, %cond3A : i32
    scf.if %cond3A_70 {
      "tpu.region"() ({
        %run_scoped3A = tpu.sem_alloc : memref<!tpu.dma_semaphore, #tpu.memory_space<semaphore_mem>>
        tpu.enqueue_dma source(%arg8 : memref<1x256xf32, #tpu.memory_space<vmem>>) target(%arg10 : memref<1x256xf32, #tpu.memory_space<vmem_shared>>) target_semaphore(%run_scoped3A : memref<!tpu.dma_semaphore, #tpu.memory_space<semaphore_mem>>)
        tpu.wait_dma2 semaphore(%run_scoped3A : memref<!tpu.dma_semaphore, #tpu.memory_space<semaphore_mem>>) src(%arg8 : memref<1x256xf32, #tpu.memory_space<vmem>>) dst(%arg10 : memref<1x256xf32, #tpu.memory_space<vmem_shared>>)
        tpu.yield
      }) : () -> ()
    } else {
    }
    %barrier3A = arith.constant 0 : index
    tpu.barrier barrier_id(%barrier3A)
    %broadcast_in_dim3A_71 = arith.constant 0 : i32
    %broadcast_in_dim3A_72 = vector.broadcast %broadcast_in_dim3A_71 : i32 to vector<16xi32>
    %get3A = arith.constant 0 : index
    %get3A_73 = tpu.vector_load %arg6[%get3A] {strides = array<i32>} : memref<512xf32, #tpu.memory_space<vmem>>, vector<16xf32>,
    %get3A_74 = arith.constant 0 : index
    %get3A_75 = tpu.vector_load %arg7[%get3A_74] {strides = array<i32>} : memref<512xi32, #tpu.memory_space<vmem>>, vector<16xi32>,
    tpu.vector_store_idx %arg8[%broadcast_in_dim3A_72, %get3A_75], %get3A_73 {add = true} : memref<1x256xf32, #tpu.memory_space<vmem>>[vector<16xi32>, vector<16xi32>], vector<16xf32>,
    %get3A_76 = arith.constant 16 : index
    %get3A_77 = tpu.vector_load %arg6[%get3A_76] {strides = array<i32>} : memref<512xf32, #tpu.memory_space<vmem>>, vector<16xf32>,
    %get3A_78 = arith.constant 16 : index
    %get3A_79 = tpu.vector_load %arg7[%get3A_78] {strides = array<i32>} : memref<512xi32, #tpu.memory_space<vmem>>, vector<16xi32>,
    tpu.vector_store_idx %arg8[%broadcast_in_dim3A_72, %get3A_79], %get3A_77 {add = true} : memref<1x256xf32, #tpu.memory_space<vmem>>[vector<16xi32>, vector<16xi32>], vector<16xf32>,
    %get3A_80 = arith.constant 32 : index
    %get3A_81 = tpu.vector_load %arg6[%get3A_80] {strides = array<i32>} : memref<512xf32, #tpu.memory_space<vmem>>, vector<16xf32>,
    %get3A_82 = arith.constant 32 : index
    %get3A_83 = tpu.vector_load %arg7[%get3A_82] {strides = array<i32>} : memref<512xi32, #tpu.memory_space<vmem>>, vector<16xi32>,
    tpu.vector_store_idx %arg8[%broadcast_in_dim3A_72, %get3A_83], %get3A_81 {add = true} : memref<1x256xf32, #tpu.memory_space<vmem>>[vector<16xi32>, vector<16xi32>], vector<16xf32>,
    %get3A_84 = arith.constant 48 : index
    %get3A_85 = tpu.vector_load %arg6[%get3A_84] {strides = array<i32>} : memref<512xf32, #tpu.memory_space<vmem>>, vector<16xf32>,
    %get3A_86 = arith.constant 48 : index
    %get3A_87 = tpu.vector_load %arg7[%get3A_86] {strides = array<i32>} : memref<512xi32, #tpu.memory_space<vmem>>, vector<16xi32>,
    tpu.vector_store_idx %arg8[%broadcast_in_dim3A_72, %get3A_87], %get3A_85 {add = true} : memref<1x256xf32, #tpu.memory_space<vmem>>[vector<16xi32>, vector<16xi32>], vector<16xf32>,
    %get3A_88 = arith.constant 64 : index
    %get3A_89 = tpu.vector_load %arg6[%get3A_88] {strides = array<i32>} : memref<512xf32, #tpu.memory_space<vmem>>, vector<16xf32>,
    %get3A_90 = arith.constant 64 : index
    %get3A_91 = tpu.vector_load %arg7[%get3A_90] {strides = array<i32>} : memref<512xi32, #tpu.memory_space<vmem>>, vector<16xi32>,
    tpu.vector_store_idx %arg8[%broadcast_in_dim3A_72, %get3A_91], %get3A_89 {add = true} : memref<1x256xf32, #tpu.memory_space<vmem>>[vector<16xi32>, vector<16xi32>], vector<16xf32>,
    %get3A_92 = arith.constant 80 : index
    %get3A_93 = tpu.vector_load %arg6[%get3A_92] {strides = array<i32>} : memref<512xf32, #tpu.memory_space<vmem>>, vector<16xf32>,
    %get3A_94 = arith.constant 80 : index
    %get3A_95 = tpu.vector_load %arg7[%get3A_94] {strides = array<i32>} : memref<512xi32, #tpu.memory_space<vmem>>, vector<16xi32>,
    tpu.vector_store_idx %arg8[%broadcast_in_dim3A_72, %get3A_95], %get3A_93 {add = true} : memref<1x256xf32, #tpu.memory_space<vmem>>[vector<16xi32>, vector<16xi32>], vector<16xf32>,
    %get3A_96 = arith.constant 96 : index
    %get3A_97 = tpu.vector_load %arg6[%get3A_96] {strides = array<i32>} : memref<512xf32, #tpu.memory_space<vmem>>, vector<16xf32>,
    %get3A_98 = arith.constant 96 : index
    %get3A_99 = tpu.vector_load %arg7[%get3A_98] {strides = array<i32>} : memref<512xi32, #tpu.memory_space<vmem>>, vector<16xi32>,
    tpu.vector_store_idx %arg8[%broadcast_in_dim3A_72, %get3A_99], %get3A_97 {add = true} : memref<1x256xf32, #tpu.memory_space<vmem>>[vector<16xi32>, vector<16xi32>], vector<16xf32>,
    %get3A_100 = arith.constant 112 : index
    %get3A_101 = tpu.vector_load %arg6[%get3A_100] {strides = array<i32>} : memref<512xf32, #tpu.memory_space<vmem>>, vector<16xf32>,
    %get3A_102 = arith.constant 112 : index
    %get3A_103 = tpu.vector_load %arg7[%get3A_102] {strides = array<i32>} : memref<512xi32, #tpu.memory_space<vmem>>, vector<16xi32>,
    tpu.vector_store_idx %arg8[%broadcast_in_dim3A_72, %get3A_103], %get3A_101 {add = true} : memref<1x256xf32, #tpu.memory_space<vmem>>[vector<16xi32>, vector<16xi32>], vector<16xf32>,
    %get3A_104 = arith.constant 128 : index
    %get3A_105 = tpu.vector_load %arg6[%get3A_104] {strides = array<i32>} : memref<512xf32, #tpu.memory_space<vmem>>, vector<16xf32>,
    %get3A_106 = arith.constant 128 : index
    %get3A_107 = tpu.vector_load %arg7[%get3A_106] {strides = array<i32>} : memref<512xi32, #tpu.memory_space<vmem>>, vector<16xi32>,
    tpu.vector_store_idx %arg8[%broadcast_in_dim3A_72, %get3A_107], %get3A_105 {add = true} : memref<1x256xf32, #tpu.memory_space<vmem>>[vector<16xi32>, vector<16xi32>], vector<16xf32>,
    %get3A_108 = arith.constant 144 : index
    %get3A_109 = tpu.vector_load %arg6[%get3A_108] {strides = array<i32>} : memref<512xf32, #tpu.memory_space<vmem>>, vector<16xf32>,
    %get3A_110 = arith.constant 144 : index
    %get3A_111 = tpu.vector_load %arg7[%get3A_110] {strides = array<i32>} : memref<512xi32, #tpu.memory_space<vmem>>, vector<16xi32>,
    tpu.vector_store_idx %arg8[%broadcast_in_dim3A_72, %get3A_111], %get3A_109 {add = true} : memref<1x256xf32, #tpu.memory_space<vmem>>[vector<16xi32>, vector<16xi32>], vector<16xf32>,
    %get3A_112 = arith.constant 160 : index
    %get3A_113 = tpu.vector_load %arg6[%get3A_112] {strides = array<i32>} : memref<512xf32, #tpu.memory_space<vmem>>, vector<16xf32>,
    %get3A_114 = arith.constant 160 : index
    %get3A_115 = tpu.vector_load %arg7[%get3A_114] {strides = array<i32>} : memref<512xi32, #tpu.memory_space<vmem>>, vector<16xi32>,
    tpu.vector_store_idx %arg8[%broadcast_in_dim3A_72, %get3A_115], %get3A_113 {add = true} : memref<1x256xf32, #tpu.memory_space<vmem>>[vector<16xi32>, vector<16xi32>], vector<16xf32>,
    %get3A_116 = arith.constant 176 : index
    %get3A_117 = tpu.vector_load %arg6[%get3A_116] {strides = array<i32>} : memref<512xf32, #tpu.memory_space<vmem>>, vector<16xf32>,
    %get3A_118 = arith.constant 176 : index
    %get3A_119 = tpu.vector_load %arg7[%get3A_118] {strides = array<i32>} : memref<512xi32, #tpu.memory_space<vmem>>, vector<16xi32>,
    tpu.vector_store_idx %arg8[%broadcast_in_dim3A_72, %get3A_119], %get3A_117 {add = true} : memref<1x256xf32, #tpu.memory_space<vmem>>[vector<16xi32>, vector<16xi32>], vector<16xf32>,
    %get3A_120 = arith.constant 192 : index
    %get3A_121 = tpu.vector_load %arg6[%get3A_120] {strides = array<i32>} : memref<512xf32, #tpu.memory_space<vmem>>, vector<16xf32>,
    %get3A_122 = arith.constant 192 : index
    %get3A_123 = tpu.vector_load %arg7[%get3A_122] {strides = array<i32>} : memref<512xi32, #tpu.memory_space<vmem>>, vector<16xi32>,
    tpu.vector_store_idx %arg8[%broadcast_in_dim3A_72, %get3A_123], %get3A_121 {add = true} : memref<1x256xf32, #tpu.memory_space<vmem>>[vector<16xi32>, vector<16xi32>], vector<16xf32>,
    %get3A_124 = arith.constant 208 : index
    %get3A_125 = tpu.vector_load %arg6[%get3A_124] {strides = array<i32>} : memref<512xf32, #tpu.memory_space<vmem>>, vector<16xf32>,
    %get3A_126 = arith.constant 208 : index
    %get3A_127 = tpu.vector_load %arg7[%get3A_126] {strides = array<i32>} : memref<512xi32, #tpu.memory_space<vmem>>, vector<16xi32>,
    tpu.vector_store_idx %arg8[%broadcast_in_dim3A_72, %get3A_127], %get3A_125 {add = true} : memref<1x256xf32, #tpu.memory_space<vmem>>[vector<16xi32>, vector<16xi32>], vector<16xf32>,
    %get3A_128 = arith.constant 224 : index
    %get3A_129 = tpu.vector_load %arg6[%get3A_128] {strides = array<i32>} : memref<512xf32, #tpu.memory_space<vmem>>, vector<16xf32>,
    %get3A_130 = arith.constant 224 : index
    %get3A_131 = tpu.vector_load %arg7[%get3A_130] {strides = array<i32>} : memref<512xi32, #tpu.memory_space<vmem>>, vector<16xi32>,
    tpu.vector_store_idx %arg8[%broadcast_in_dim3A_72, %get3A_131], %get3A_129 {add = true} : memref<1x256xf32, #tpu.memory_space<vmem>>[vector<16xi32>, vector<16xi32>], vector<16xf32>,
    %get3A_132 = arith.constant 240 : index
    %get3A_133 = tpu.vector_load %arg6[%get3A_132] {strides = array<i32>} : memref<512xf32, #tpu.memory_space<vmem>>, vector<16xf32>,
    %get3A_134 = arith.constant 240 : index
    %get3A_135 = tpu.vector_load %arg7[%get3A_134] {strides = array<i32>} : memref<512xi32, #tpu.memory_space<vmem>>, vector<16xi32>,
    tpu.vector_store_idx %arg8[%broadcast_in_dim3A_72, %get3A_135], %get3A_133 {add = true} : memref<1x256xf32, #tpu.memory_space<vmem>>[vector<16xi32>, vector<16xi32>], vector<16xf32>,
    %get3A_136 = arith.constant 256 : index
    %get3A_137 = tpu.vector_load %arg6[%get3A_136] {strides = array<i32>} : memref<512xf32, #tpu.memory_space<vmem>>, vector<16xf32>,
    %get3A_138 = arith.constant 256 : index
    %get3A_139 = tpu.vector_load %arg7[%get3A_138] {strides = array<i32>} : memref<512xi32, #tpu.memory_space<vmem>>, vector<16xi32>,
    tpu.vector_store_idx %arg8[%broadcast_in_dim3A_72, %get3A_139], %get3A_137 {add = true} : memref<1x256xf32, #tpu.memory_space<vmem>>[vector<16xi32>, vector<16xi32>], vector<16xf32>,
    %get3A_140 = arith.constant 272 : index
    %get3A_141 = tpu.vector_load %arg6[%get3A_140] {strides = array<i32>} : memref<512xf32, #tpu.memory_space<vmem>>, vector<16xf32>,
    %get3A_142 = arith.constant 272 : index
    %get3A_143 = tpu.vector_load %arg7[%get3A_142] {strides = array<i32>} : memref<512xi32, #tpu.memory_space<vmem>>, vector<16xi32>,
    tpu.vector_store_idx %arg8[%broadcast_in_dim3A_72, %get3A_143], %get3A_141 {add = true} : memref<1x256xf32, #tpu.memory_space<vmem>>[vector<16xi32>, vector<16xi32>], vector<16xf32>,
    %get3A_144 = arith.constant 288 : index
    %get3A_145 = tpu.vector_load %arg6[%get3A_144] {strides = array<i32>} : memref<512xf32, #tpu.memory_space<vmem>>, vector<16xf32>,
    %get3A_146 = arith.constant 288 : index
    %get3A_147 = tpu.vector_load %arg7[%get3A_146] {strides = array<i32>} : memref<512xi32, #tpu.memory_space<vmem>>, vector<16xi32>,
    tpu.vector_store_idx %arg8[%broadcast_in_dim3A_72, %get3A_147], %get3A_145 {add = true} : memref<1x256xf32, #tpu.memory_space<vmem>>[vector<16xi32>, vector<16xi32>], vector<16xf32>,
    %get3A_148 = arith.constant 304 : index
    %get3A_149 = tpu.vector_load %arg6[%get3A_148] {strides = array<i32>} : memref<512xf32, #tpu.memory_space<vmem>>, vector<16xf32>,
    %get3A_150 = arith.constant 304 : index
    %get3A_151 = tpu.vector_load %arg7[%get3A_150] {strides = array<i32>} : memref<512xi32, #tpu.memory_space<vmem>>, vector<16xi32>,
    tpu.vector_store_idx %arg8[%broadcast_in_dim3A_72, %get3A_151], %get3A_149 {add = true} : memref<1x256xf32, #tpu.memory_space<vmem>>[vector<16xi32>, vector<16xi32>], vector<16xf32>,
    %get3A_152 = arith.constant 320 : index
    %get3A_153 = tpu.vector_load %arg6[%get3A_152] {strides = array<i32>} : memref<512xf32, #tpu.memory_space<vmem>>, vector<16xf32>,
    %get3A_154 = arith.constant 320 : index
    %get3A_155 = tpu.vector_load %arg7[%get3A_154] {strides = array<i32>} : memref<512xi32, #tpu.memory_space<vmem>>, vector<16xi32>,
    tpu.vector_store_idx %arg8[%broadcast_in_dim3A_72, %get3A_155], %get3A_153 {add = true} : memref<1x256xf32, #tpu.memory_space<vmem>>[vector<16xi32>, vector<16xi32>], vector<16xf32>,
    %get3A_156 = arith.constant 336 : index
    %get3A_157 = tpu.vector_load %arg6[%get3A_156] {strides = array<i32>} : memref<512xf32, #tpu.memory_space<vmem>>, vector<16xf32>,
    %get3A_158 = arith.constant 336 : index
    %get3A_159 = tpu.vector_load %arg7[%get3A_158] {strides = array<i32>} : memref<512xi32, #tpu.memory_space<vmem>>, vector<16xi32>,
    tpu.vector_store_idx %arg8[%broadcast_in_dim3A_72, %get3A_159], %get3A_157 {add = true} : memref<1x256xf32, #tpu.memory_space<vmem>>[vector<16xi32>, vector<16xi32>], vector<16xf32>,
    %get3A_160 = arith.constant 352 : index
    %get3A_161 = tpu.vector_load %arg6[%get3A_160] {strides = array<i32>} : memref<512xf32, #tpu.memory_space<vmem>>, vector<16xf32>,
    %get3A_162 = arith.constant 352 : index
    %get3A_163 = tpu.vector_load %arg7[%get3A_162] {strides = array<i32>} : memref<512xi32, #tpu.memory_space<vmem>>, vector<16xi32>,
    tpu.vector_store_idx %arg8[%broadcast_in_dim3A_72, %get3A_163], %get3A_161 {add = true} : memref<1x256xf32, #tpu.memory_space<vmem>>[vector<16xi32>, vector<16xi32>], vector<16xf32>,
    %get3A_164 = arith.constant 368 : index
    %get3A_165 = tpu.vector_load %arg6[%get3A_164] {strides = array<i32>} : memref<512xf32, #tpu.memory_space<vmem>>, vector<16xf32>,
    %get3A_166 = arith.constant 368 : index
    %get3A_167 = tpu.vector_load %arg7[%get3A_166] {strides = array<i32>} : memref<512xi32, #tpu.memory_space<vmem>>, vector<16xi32>,
    tpu.vector_store_idx %arg8[%broadcast_in_dim3A_72, %get3A_167], %get3A_165 {add = true} : memref<1x256xf32, #tpu.memory_space<vmem>>[vector<16xi32>, vector<16xi32>], vector<16xf32>,
    %get3A_168 = arith.constant 384 : index
    %get3A_169 = tpu.vector_load %arg6[%get3A_168] {strides = array<i32>} : memref<512xf32, #tpu.memory_space<vmem>>, vector<16xf32>,
    %get3A_170 = arith.constant 384 : index
    %get3A_171 = tpu.vector_load %arg7[%get3A_170] {strides = array<i32>} : memref<512xi32, #tpu.memory_space<vmem>>, vector<16xi32>,
    tpu.vector_store_idx %arg8[%broadcast_in_dim3A_72, %get3A_171], %get3A_169 {add = true} : memref<1x256xf32, #tpu.memory_space<vmem>>[vector<16xi32>, vector<16xi32>], vector<16xf32>,
    %get3A_172 = arith.constant 400 : index
    %get3A_173 = tpu.vector_load %arg6[%get3A_172] {strides = array<i32>} : memref<512xf32, #tpu.memory_space<vmem>>, vector<16xf32>,
    %get3A_174 = arith.constant 400 : index
    %get3A_175 = tpu.vector_load %arg7[%get3A_174] {strides = array<i32>} : memref<512xi32, #tpu.memory_space<vmem>>, vector<16xi32>,
    tpu.vector_store_idx %arg8[%broadcast_in_dim3A_72, %get3A_175], %get3A_173 {add = true} : memref<1x256xf32, #tpu.memory_space<vmem>>[vector<16xi32>, vector<16xi32>], vector<16xf32>,
    %get3A_176 = arith.constant 416 : index
    %get3A_177 = tpu.vector_load %arg6[%get3A_176] {strides = array<i32>} : memref<512xf32, #tpu.memory_space<vmem>>, vector<16xf32>,
    %get3A_178 = arith.constant 416 : index
    %get3A_179 = tpu.vector_load %arg7[%get3A_178] {strides = array<i32>} : memref<512xi32, #tpu.memory_space<vmem>>, vector<16xi32>,
    tpu.vector_store_idx %arg8[%broadcast_in_dim3A_72, %get3A_179], %get3A_177 {add = true} : memref<1x256xf32, #tpu.memory_space<vmem>>[vector<16xi32>, vector<16xi32>], vector<16xf32>,
    %get3A_180 = arith.constant 432 : index
    %get3A_181 = tpu.vector_load %arg6[%get3A_180] {strides = array<i32>} : memref<512xf32, #tpu.memory_space<vmem>>, vector<16xf32>,
    %get3A_182 = arith.constant 432 : index
    %get3A_183 = tpu.vector_load %arg7[%get3A_182] {strides = array<i32>} : memref<512xi32, #tpu.memory_space<vmem>>, vector<16xi32>,
    tpu.vector_store_idx %arg8[%broadcast_in_dim3A_72, %get3A_183], %get3A_181 {add = true} : memref<1x256xf32, #tpu.memory_space<vmem>>[vector<16xi32>, vector<16xi32>], vector<16xf32>,
    %get3A_184 = arith.constant 448 : index
    %get3A_185 = tpu.vector_load %arg6[%get3A_184] {strides = array<i32>} : memref<512xf32, #tpu.memory_space<vmem>>, vector<16xf32>,
    %get3A_186 = arith.constant 448 : index
    %get3A_187 = tpu.vector_load %arg7[%get3A_186] {strides = array<i32>} : memref<512xi32, #tpu.memory_space<vmem>>, vector<16xi32>,
    tpu.vector_store_idx %arg8[%broadcast_in_dim3A_72, %get3A_187], %get3A_185 {add = true} : memref<1x256xf32, #tpu.memory_space<vmem>>[vector<16xi32>, vector<16xi32>], vector<16xf32>,
    %get3A_188 = arith.constant 464 : index
    %get3A_189 = tpu.vector_load %arg6[%get3A_188] {strides = array<i32>} : memref<512xf32, #tpu.memory_space<vmem>>, vector<16xf32>,
    %get3A_190 = arith.constant 464 : index
    %get3A_191 = tpu.vector_load %arg7[%get3A_190] {strides = array<i32>} : memref<512xi32, #tpu.memory_space<vmem>>, vector<16xi32>,
    tpu.vector_store_idx %arg8[%broadcast_in_dim3A_72, %get3A_191], %get3A_189 {add = true} : memref<1x256xf32, #tpu.memory_space<vmem>>[vector<16xi32>, vector<16xi32>], vector<16xf32>,
    %get3A_192 = arith.constant 480 : index
    %get3A_193 = tpu.vector_load %arg6[%get3A_192] {strides = array<i32>} : memref<512xf32, #tpu.memory_space<vmem>>, vector<16xf32>,
    %get3A_194 = arith.constant 480 : index
    %get3A_195 = tpu.vector_load %arg7[%get3A_194] {strides = array<i32>} : memref<512xi32, #tpu.memory_space<vmem>>, vector<16xi32>,
    tpu.vector_store_idx %arg8[%broadcast_in_dim3A_72, %get3A_195], %get3A_193 {add = true} : memref<1x256xf32, #tpu.memory_space<vmem>>[vector<16xi32>, vector<16xi32>], vector<16xf32>,
    %get3A_196 = arith.constant 496 : index
    %get3A_197 = tpu.vector_load %arg6[%get3A_196] {strides = array<i32>} : memref<512xf32, #tpu.memory_space<vmem>>, vector<16xf32>,
    %get3A_198 = arith.constant 496 : index
    %get3A_199 = tpu.vector_load %arg7[%get3A_198] {strides = array<i32>} : memref<512xi32, #tpu.memory_space<vmem>>, vector<16xi32>,
    tpu.vector_store_idx %arg8[%broadcast_in_dim3A_72, %get3A_199], %get3A_197 {add = true} : memref<1x256xf32, #tpu.memory_space<vmem>>[vector<16xi32>, vector<16xi32>], vector<16xf32>,
    "tpu.region"() ({
      %run_scoped3A = tpu.sem_alloc : memref<!tpu.dma_semaphore, #tpu.memory_space<semaphore_mem>>
      %dma_start3A = arith.constant 0 : i32
      %dma_start3A_206 = arith.constant 0 : i32
      %dma_start3A_207 = tpu.memref_slice %arg10[%dma_start3A, %dma_start3A_206] : memref<1x256xf32, #tpu.memory_space<vmem_shared>> -> memref<1x256xf32, #tpu.memory_space<vmem_shared>>
      tpu.enqueue_indirect_dma source(%arg8 : memref<1x256xf32, #tpu.memory_space<vmem>>) target(%dma_start3A_207 : memref<1x256xf32, #tpu.memory_space<vmem_shared>>) offsets(%arg9 : memref<1xi32, #tpu.memory_space<vmem>>) semaphore(%run_scoped3A : memref<!tpu.dma_semaphore, #tpu.memory_space<semaphore_mem>>) {add = true}
      %dma_wait3A = arith.constant 0 : i32
      %dma_wait3A_208 = arith.constant 0 : i32
      %dma_wait3A_209 = tpu.memref_slice %arg10[%dma_wait3A, %dma_wait3A_208] : memref<1x256xf32, #tpu.memory_space<vmem_shared>> -> memref<1x256xf32, #tpu.memory_space<vmem_shared>>
      tpu.wait_indirect_dma semaphore(%run_scoped3A : memref<!tpu.dma_semaphore, #tpu.memory_space<semaphore_mem>>) src(%arg8 : memref<1x256xf32, #tpu.memory_space<vmem>>) dst(%dma_wait3A_209 : memref<1x256xf32, #tpu.memory_space<vmem_shared>>)
      tpu.yield
    }) : () -> ()
    %barrier3A_200 = arith.constant 0 : index
    tpu.barrier barrier_id(%barrier3A_200)
    %eq3A_201 = arith.constant 0 : i32
    %eq3A_202 = arith.cmpi eq, %arg1, %eq3A_201 : i32
    %convert_element_type3A_203 = arith.extui %eq3A_202 : i1 to i32
    %cond3A_204 = arith.constant 0 : i32
    %cond3A_205 = arith.cmpi ne, %convert_element_type3A_203, %cond3A_204 : i32
    scf.if %cond3A_205 {
      %run_scoped3A = arith.constant 0 : i32
      "tpu.region"() ({
        %run_scoped3A_206 = tpu.sem_alloc : memref<!tpu.dma_semaphore, #tpu.memory_space<semaphore_mem>>
        %dma_start3A = arith.constant 0 : i32
        %dma_start3A_207 = tpu.memref_slice %arg5[%arg0, %dma_start3A] : memref<2x256xf32, #tpu.memory_space<hbm>> -> memref<1x256xf32, #tpu.memory_space<hbm>>
        %dma_start3A_208 = tpu.memref_squeeze %dma_start3A_207 : memref<1x256xf32, #tpu.memory_space<hbm>> -> memref<256xf32, #tpu.memory_space<hbm>>
        %dma_start3A_209 = arith.constant 0 : i32
        %dma_start3A_210 = tpu.memref_slice %arg10[%run_scoped3A, %dma_start3A_209] : memref<1x256xf32, #tpu.memory_space<vmem_shared>> -> memref<1x256xf32, #tpu.memory_space<vmem_shared>>
        %dma_start3A_211 = tpu.memref_squeeze %dma_start3A_210 : memref<1x256xf32, #tpu.memory_space<vmem_shared>> -> memref<256xf32, #tpu.memory_space<vmem_shared>>
        tpu.enqueue_dma source(%dma_start3A_211 : memref<256xf32, #tpu.memory_space<vmem_shared>>) target(%dma_start3A_208 : memref<256xf32, #tpu.memory_space<hbm>>) target_semaphore(%run_scoped3A_206 : memref<!tpu.dma_semaphore, #tpu.memory_space<semaphore_mem>>)
        %dma_wait3A = arith.constant 0 : i32
        %dma_wait3A_212 = tpu.memref_slice %arg5[%arg0, %dma_wait3A] : memref<2x256xf32, #tpu.memory_space<hbm>> -> memref<1x256xf32, #tpu.memory_space<hbm>>
        %dma_wait3A_213 = tpu.memref_squeeze %dma_wait3A_212 : memref<1x256xf32, #tpu.memory_space<hbm>> -> memref<256xf32, #tpu.memory_space<hbm>>
        %dma_wait3A_214 = arith.constant 0 : i32
        %dma_wait3A_215 = tpu.memref_slice %arg10[%run_scoped3A, %dma_wait3A_214] : memref<1x256xf32, #tpu.memory_space<vmem_shared>> -> memref<1x256xf32, #tpu.memory_space<vmem_shared>>
        %dma_wait3A_216 = tpu.memref_squeeze %dma_wait3A_215 : memref<1x256xf32, #tpu.memory_space<vmem_shared>> -> memref<256xf32, #tpu.memory_space<vmem_shared>>
        tpu.wait_dma2 semaphore(%run_scoped3A_206 : memref<!tpu.dma_semaphore, #tpu.memory_space<semaphore_mem>>) src(%dma_wait3A_216 : memref<256xf32, #tpu.memory_space<vmem_shared>>) dst(%dma_wait3A_213 : memref<256xf32, #tpu.memory_space<hbm>>)
        tpu.yield
      }) : () -> ()
    } else {
    }
    return
  }
}

module attributes {stable_mosaic.version = 14 : i64} {
  func.func @_head_body(%arg0: i32, %arg1: memref<1x1x4096xi32, #tpu.memory_space<vmem>>, %arg2: memref<3x4096xf32, #tpu.memory_space<vmem>>, %arg3: memref<100x256xf32, #tpu.memory_space<vmem>>, %arg4: memref<3x256xf32, #tpu.memory_space<vmem>>, %arg5: memref<256x256xf32, #tpu.memory_space<vmem>>, %arg6: memref<256x128xf32, #tpu.memory_space<vmem>>, %arg7: memref<128x1xf32, #tpu.memory_space<vmem>>, %arg8: memref<256x256xf32, #tpu.memory_space<vmem>>, %arg9: memref<1x1x4096xf32, #tpu.memory_space<vmem>>, %arg10: memref<100x256xf32, #tpu.memory_space<vmem>>) attributes {dimension_semantics = [#tpu.dimension_semantics<arbitrary>], iteration_bounds = array<i64: 4>, scalar_prefetch = 0 : i64, scratch_operands = 1 : i64, tpu.core_type = #tpu.core_type<tc>, window_params = [{transform_indices = @transform_0, window_bounds = array<i64: 1, 1, 4096>}, {transform_indices = @transform_1, window_bounds = array<i64: 3, 4096>}, {pipeline_mode = #tpu.pipeline_mode<synchronous>, transform_indices = @transform_2, window_bounds = array<i64: 100, 256>}, {pipeline_mode = #tpu.pipeline_mode<synchronous>, transform_indices = @transform_3, window_bounds = array<i64: 3, 256>}, {pipeline_mode = #tpu.pipeline_mode<synchronous>, transform_indices = @transform_4, window_bounds = array<i64: 256, 256>}, {pipeline_mode = #tpu.pipeline_mode<synchronous>, transform_indices = @transform_5, window_bounds = array<i64: 256, 128>}, {pipeline_mode = #tpu.pipeline_mode<synchronous>, transform_indices = @transform_6, window_bounds = array<i64: 128, 1>}, {pipeline_mode = #tpu.pipeline_mode<synchronous>, transform_indices = @transform_7, window_bounds = array<i64: 256, 256>}, {transform_indices = @transform_8, window_bounds = array<i64: 1, 1, 4096>}]} {
    %eq3A = arith.constant 0 : i32
    %eq3A_0 = arith.cmpi eq, %arg0, %eq3A : i32
    %convert_element_type3A = arith.extui %eq3A_0 : i1 to i32
    %cond3A = arith.constant 0 : i32
    %cond3A_1 = arith.cmpi ne, %convert_element_type3A, %cond3A : i32
    scf.if %cond3A_1 {
      %get3A_64 = arith.constant 0 : index
      %get3A_65 = arith.constant 0 : index
      %get3A_66 = vector.load %arg3[%get3A_64, %get3A_65] : memref<100x256xf32, #tpu.memory_space<vmem>>, vector<100x256xf32>
      %get3A_67 = arith.constant 0 : index
      %get3A_68 = arith.constant 0 : index
      %get3A_69 = vector.load %arg8[%get3A_67, %get3A_68] : memref<256x256xf32, #tpu.memory_space<vmem>>, vector<256x256xf32>
      %dot_general3A_70 = arith.constant dense<0.000000e+00> : vector<100x256xf32>
      %dot_general3A_71 = tpu.matmul %get3A_66, %get3A_69, %dot_general3A_70 {dimension_numbers = #tpu.dot_dimension_numbers<[1], [0], [0], [1], [0, 0, 1, 1], [], []>, transpose_lhs_hint = false} : vector<100x256xf32>, vector<256x256xf32>, vector<100x256xf32> -> vector<100x256xf32>
      %swap3A_72 = arith.constant 0 : index
      %swap3A_73 = arith.constant 0 : index
      %swap3A_74 = vector.load %arg10[%swap3A_72, %swap3A_73] : memref<100x256xf32, #tpu.memory_space<vmem>>, vector<100x256xf32>
      tpu.vector_store %arg10[%swap3A_72, %swap3A_73], %dot_general3A_71 {strides = array<i32>} : memref<100x256xf32, #tpu.memory_space<vmem>>, vector<100x256xf32>,
    } else {
    }
    %get3A = arith.constant 0 : index
    %get3A_2 = arith.constant 0 : index
    %get3A_3 = arith.constant 0 : index
    %get3A_4 = vector.load %arg1[%get3A, %get3A_2, %get3A_3] : memref<1x1x4096xi32, #tpu.memory_space<vmem>>, vector<1x1x4096xi32>
    %reshape3A = vector.shape_cast %get3A_4 : vector<1x1x4096xi32> to vector<1x4096xi32>
    %iota3A = tpu.iota {dimensions = array<i32: 0>} : vector<100x4096xi32>
    %eq3A_5 = vector.broadcast %reshape3A : vector<1x4096xi32> to vector<100x4096xi32>
    %eq3A_6 = arith.cmpi eq, %eq3A_5, %iota3A : vector<100x4096xi32>
    %convert_element_type3A_7 = arith.extui %eq3A_6 : vector<100x4096xi1> to vector<100x4096xi32>
    %convert_element_type3A_8 = arith.sitofp %convert_element_type3A_7 : vector<100x4096xi32> to vector<100x4096xf32>
    %convert_element_type3A_9 = arith.truncf %convert_element_type3A_8 : vector<100x4096xf32> to vector<100x4096xbf16>
    %get3A_10 = arith.constant 0 : index
    %get3A_11 = arith.constant 0 : index
    %get3A_12 = vector.load %arg2[%get3A_10, %get3A_11] : memref<3x4096xf32, #tpu.memory_space<vmem>>, vector<3x4096xf32>
    %get3A_13 = arith.constant 0 : index
    %get3A_14 = arith.constant 0 : index
    %get3A_15 = vector.load %arg10[%get3A_13, %get3A_14] : memref<100x256xf32, #tpu.memory_space<vmem>>, vector<100x256xf32>
    %convert_element_type3A_16 = arith.truncf %get3A_15 : vector<100x256xf32> to vector<100x256xbf16>
    %dot_general3A = arith.constant dense<0.000000e+00> : vector<256x4096xf32>
    %dot_general3A_17 = tpu.matmul %convert_element_type3A_16, %convert_element_type3A_9, %dot_general3A {dimension_numbers = #tpu.dot_dimension_numbers<[0], [0], [1], [1], [0, 1, 1, 1], [], []>, transpose_lhs_hint = false} : vector<100x256xbf16>, vector<100x4096xbf16>, vector<256x4096xf32> -> vector<256x4096xf32>
    %get3A_18 = arith.constant 0 : index
    %get3A_19 = arith.constant 0 : index
    %get3A_20 = vector.load %arg4[%get3A_18, %get3A_19] : memref<3x256xf32, #tpu.memory_space<vmem>>, vector<3x256xf32>
    %dot_general3A_21 = arith.constant dense<0.000000e+00> : vector<256x4096xf32>
    %dot_general3A_22 = tpu.matmul %get3A_20, %get3A_12, %dot_general3A_21 {dimension_numbers = #tpu.dot_dimension_numbers<[0], [0], [1], [1], [0, 1, 1, 1], [], []>, transpose_lhs_hint = false} : vector<3x256xf32>, vector<3x4096xf32>, vector<256x4096xf32> -> vector<256x4096xf32>
    %add3A = arith.addf %dot_general3A_17, %dot_general3A_22 : vector<256x4096xf32>
    %logistic3A = arith.negf %add3A : vector<256x4096xf32>
    %logistic3A_23 = math.exp %logistic3A : vector<256x4096xf32>
    %logistic3A_24 = arith.constant 1.000000e+00 : f32
    %logistic3A_25 = vector.broadcast %logistic3A_24 : f32 to vector<256x4096xf32>
    %logistic3A_26 = arith.addf %logistic3A_25, %logistic3A_23 : vector<256x4096xf32>
    %logistic3A_27 = arith.divf %logistic3A_25, %logistic3A_26 : vector<256x4096xf32>
    %mul3A = arith.mulf %add3A, %logistic3A_27 : vector<256x4096xf32>
    %get3A_28 = arith.constant 0 : index
    %get3A_29 = arith.constant 0 : index
    %get3A_30 = vector.load %arg5[%get3A_28, %get3A_29] : memref<256x256xf32, #tpu.memory_space<vmem>>, vector<256x256xf32>
    %convert_element_type3A_31 = arith.truncf %get3A_30 : vector<256x256xf32> to vector<256x256xbf16>
    %convert_element_type3A_32 = arith.truncf %mul3A : vector<256x4096xf32> to vector<256x4096xbf16>
    %dot_general3A_33 = arith.constant dense<0.000000e+00> : vector<256x4096xf32>
    %dot_general3A_34 = tpu.matmul %convert_element_type3A_31, %convert_element_type3A_32, %dot_general3A_33 {dimension_numbers = #tpu.dot_dimension_numbers<[0], [0], [1], [1], [0, 1, 1, 1], [], []>, transpose_lhs_hint = false} : vector<256x256xbf16>, vector<256x4096xbf16>, vector<256x4096xf32> -> vector<256x4096xf32>
    %mul3A_35 = arith.mulf %get3A_12, %get3A_12 : vector<3x4096xf32>
    %reduce_sum3A = arith.constant dense<0.000000e+00> : vector<4096xf32>
    %reduce_sum3A_36 = vector.multi_reduction <add>, %mul3A_35, %reduce_sum3A [0] : vector<3x4096xf32> to vector<4096xf32>
    %broadcast_in_dim3A = vector.shape_cast %reduce_sum3A_36 : vector<4096xf32> to vector<1x4096xf32>
    %mul3A_37 = arith.mulf %dot_general3A_34, %dot_general3A_34 : vector<256x4096xf32>
    %mul3A_38 = vector.broadcast %broadcast_in_dim3A : vector<1x4096xf32> to vector<256x4096xf32>
    %mul3A_39 = arith.mulf %mul3A_38, %mul3A_37 : vector<256x4096xf32>
    %add3A_40 = arith.addf %mul3A, %mul3A_39 : vector<256x4096xf32>
    %get3A_41 = arith.constant 0 : index
    %get3A_42 = arith.constant 0 : index
    %get3A_43 = vector.load %arg6[%get3A_41, %get3A_42] : memref<256x128xf32, #tpu.memory_space<vmem>>, vector<256x128xf32>
    %convert_element_type3A_44 = arith.truncf %get3A_43 : vector<256x128xf32> to vector<256x128xbf16>
    %convert_element_type3A_45 = arith.truncf %add3A_40 : vector<256x4096xf32> to vector<256x4096xbf16>
    %dot_general3A_46 = arith.constant dense<0.000000e+00> : vector<128x4096xf32>
    %dot_general3A_47 = tpu.matmul %convert_element_type3A_44, %convert_element_type3A_45, %dot_general3A_46 {dimension_numbers = #tpu.dot_dimension_numbers<[0], [0], [1], [1], [0, 1, 1, 1], [], []>, transpose_lhs_hint = false} : vector<256x128xbf16>, vector<256x4096xbf16>, vector<128x4096xf32> -> vector<128x4096xf32>
    %logistic3A_48 = arith.negf %dot_general3A_47 : vector<128x4096xf32>
    %logistic3A_49 = math.exp %logistic3A_48 : vector<128x4096xf32>
    %logistic3A_50 = arith.constant 1.000000e+00 : f32
    %logistic3A_51 = vector.broadcast %logistic3A_50 : f32 to vector<128x4096xf32>
    %logistic3A_52 = arith.addf %logistic3A_51, %logistic3A_49 : vector<128x4096xf32>
    %logistic3A_53 = arith.divf %logistic3A_51, %logistic3A_52 : vector<128x4096xf32>
    %mul3A_54 = arith.mulf %dot_general3A_47, %logistic3A_53 : vector<128x4096xf32>
    %get3A_55 = arith.constant 0 : index
    %get3A_56 = arith.constant 0 : index
    %get3A_57 = vector.load %arg7[%get3A_55, %get3A_56] : memref<128x1xf32, #tpu.memory_space<vmem>>, vector<128x1xf32>
    %dot_general3A_58 = arith.constant dense<0.000000e+00> : vector<1x4096xf32>
    %dot_general3A_59 = tpu.matmul %get3A_57, %mul3A_54, %dot_general3A_58 {dimension_numbers = #tpu.dot_dimension_numbers<[0], [0], [1], [1], [0, 1, 1, 1], [], []>, transpose_lhs_hint = false} : vector<128x1xf32>, vector<128x4096xf32>, vector<1x4096xf32> -> vector<1x4096xf32>
    %reshape3A_60 = vector.shape_cast %dot_general3A_59 : vector<1x4096xf32> to vector<1x1x4096xf32>
    %swap3A = arith.constant 0 : index
    %swap3A_61 = arith.constant 0 : index
    %swap3A_62 = arith.constant 0 : index
    %swap3A_63 = vector.load %arg9[%swap3A, %swap3A_61, %swap3A_62] : memref<1x1x4096xf32, #tpu.memory_space<vmem>>, vector<1x1x4096xf32>
    tpu.vector_store %arg9[%swap3A, %swap3A_61, %swap3A_62], %reshape3A_60 {strides = array<i32>} : memref<1x1x4096xf32, #tpu.memory_space<vmem>>, vector<1x1x4096xf32>,
    return
  }
  func.func @transform_0(%arg0: i32) -> (i32, i32, i32) {
    %add3A = arith.constant 0 : i32
    %add3A_0 = arith.addi %arg0, %add3A : i32
    %c0_i32 = arith.constant 0 : i32
    %c0_i32_1 = arith.constant 0 : i32
    %c0_i32_2 = arith.constant 0 : i32
    return %add3A_0, %c0_i32, %c0_i32_1 : i32, i32, i32
  }
  func.func @transform_1(%arg0: i32) -> (i32, i32) {
    %add3A = arith.constant 0 : i32
    %add3A_0 = arith.addi %arg0, %add3A : i32
    %c0_i32 = arith.constant 0 : i32
    %c0_i32_1 = arith.constant 0 : i32
    return %c0_i32, %add3A_0 : i32, i32
  }
  func.func @transform_2(%arg0: i32) -> (i32, i32) {
    %c0_i32 = arith.constant 0 : i32
    %c0_i32_0 = arith.constant 0 : i32
    %c0_i32_1 = arith.constant 0 : i32
    return %c0_i32, %c0_i32_0 : i32, i32
  }
  func.func @transform_3(%arg0: i32) -> (i32, i32) {
    %c0_i32 = arith.constant 0 : i32
    %c0_i32_0 = arith.constant 0 : i32
    %c0_i32_1 = arith.constant 0 : i32
    return %c0_i32, %c0_i32_0 : i32, i32
  }
  func.func @transform_4(%arg0: i32) -> (i32, i32) {
    %c0_i32 = arith.constant 0 : i32
    %c0_i32_0 = arith.constant 0 : i32
    %c0_i32_1 = arith.constant 0 : i32
    return %c0_i32, %c0_i32_0 : i32, i32
  }
  func.func @transform_5(%arg0: i32) -> (i32, i32) {
    %c0_i32 = arith.constant 0 : i32
    %c0_i32_0 = arith.constant 0 : i32
    %c0_i32_1 = arith.constant 0 : i32
    return %c0_i32, %c0_i32_0 : i32, i32
  }
  func.func @transform_6(%arg0: i32) -> (i32, i32) {
    %c0_i32 = arith.constant 0 : i32
    %c0_i32_0 = arith.constant 0 : i32
    %c0_i32_1 = arith.constant 0 : i32
    return %c0_i32, %c0_i32_0 : i32, i32
  }
  func.func @transform_7(%arg0: i32) -> (i32, i32) {
    %c0_i32 = arith.constant 0 : i32
    %c0_i32_0 = arith.constant 0 : i32
    %c0_i32_1 = arith.constant 0 : i32
    return %c0_i32, %c0_i32_0 : i32, i32
  }
  func.func @transform_8(%arg0: i32) -> (i32, i32, i32) {
    %c0_i32 = arith.constant 0 : i32
    %c0_i32_0 = arith.constant 0 : i32
    %c0_i32_1 = arith.constant 0 : i32
    return %arg0, %c0_i32, %c0_i32_0 : i32, i32, i32
  }
}

</mosaic_0001>

<sc_bundles>
// kernel: kernel.4.cloned.1.call-start
scs
__scs_entry_jumppad:
0x0: {  	(pc) =	sbr.rel $0x88, $3  }
0x1: {  	(tag) =	ssettag $0x0;
	lr =	simm.s32 $0x1  }
0x2: {  	[smem:$0x3F98] =	sst lr;
	_ =	strace $0xD0000000  }
0x3: {  	_ = 	snop  }
0x4: {  	_ = 	snop  }
0x5: {  	_ = 	snop  }
0x6: {  	_ = 	snop  }
0x7: {  	_ = 	snop  }
__scs_overlays_trampoline_lowered:
0x8: {  	[smem:$0x3FA7] =	sst s0  }
0x9: {  	[smem:$0x3FA8] =	sst s1  }
0xa: {  	[smem:$0x3FA9] =	sst s2  }
0xb: {  	[smem:$0x3FAA] =	sst s3  }
0xc: {  	[smem:$0x3FAB] =	sst s4  }
0xd: {  	[smem:$0x3FAC] =	sst s5  }
0xe: {  	[smem:$0x3FAD] =	sst s6  }
0xf: {  	[smem:$0x3FAE] =	sst s7  }
0x10: {  	[smem:$0x3FAF] =	sst s8  }
0x11: {  	[smem:$0x3FB0] =	sst s9;
	s0 =	simm.s32 @!p0 $0x0  }
0x12: {  	s1 =	sld [smem:$0x3F96];
	s0 =	simm.s32 @p0 $0x1  }
0x13: {  	[smem:$0x3FB1] =	sst s0;
	s0 =	simm.s32 @!p1 $0x0  }
0x14: {  	s2 =	sld [smem:$0x3F95];
	s0 =	simm.s32 @p1 $0x1  }
0x15: {  	[smem:$0x3FB2] =	sst s0;
	s0 =	simm.s32 @!p2 $0x0  }
0x16: {  	s3 =	sld [smem:$0x3FDB];
	s0 =	simm.s32 @p2 $0x1  }
0x17: {  	s4 =	simm.s32 $0x1BF5;
	[smem:$0x3FB4] =	sst s0  }
0x18: {  	s0 =	sld [smem:$0x3F97];
	_ =	swait.ge [sflag:s4], $0x0  }
0x19: {  	s7 =	sld [smem:$0x3F98]  }
0x1a: {  	s8 =	sadd.s32 $0xFFFFE003, lr  }
0x1b: {  	s9 =	sadd.s32 $0xFFFFFEF7, lr;
	s5 =	simm.s32 $0xFFFFFFFF;
	p2 =	slt.u32 s8, $0xFFFFF086  }
0x1c: {  	p1 =	slt.u32 s9, $0xF7A;
	s5 =	simm.s32 @!p2 $0x0  }
0x1d: {  	s5 =	simm.s32 @p1 $0x1;
	p0 =	seq.s32 s7, s2  }
0x1e: {  	s7 =	smul.u32 @!p0 $0xF7A, s2;
	p2 =	seq.s32 @!p0 s5, $0x0  }
0x1f: {  	s9 =	smul.u32 $0xF7A, s1;
	s8 =	simm.s32 @!p0 $0x1BF5;
	p2 =	por !p2, p0  }
0x20: {  	[sflag:s8] =	ssyncset.s32 @!p0 $0xFFFFF086;
	s6 =	sadd.s32 @!p0 s3, s7;
	s7 =	simm.s32 @!p0 $0x108  }
0x21: {  	s3 =	sadd.s32 s3, s9;
	s6 =	sadd.s32 @!p0 $0x88, s6;
	s7 =	simm.s32 @p2 $0x1082  }
0x22: {  	[simem:s7], [sflag:s8] =	dma.local @!p0 [hbm:s6], $0xF7A  }
0x23: {  	s9 =	sor.u32 $0xD0000000, s2;
	s6 =	simm.s32 $0x108;
	_ =	swait.ge @!p0 [sflag:s8], $0x0  }
0x24: {  	s3 =	sadd.s32 $0x88, s3;
	s6 =	simm.s32 @!p1 $0x1082;
	[sflag:s4] =	ssyncset.s32 $0xFFFFF086  }
0x25: {  	[simem:s6], [sflag:s4] =	dma.local [hbm:s3], $0xF7A  }
0x26: {  	[smem:$0x3F98] =	sst s1;
	(tag) =	ssettag s2;
	_ =	strace s9  }
0x27: {  	s1 =	sld [smem:$0x3FA8]  }
0x28: {  	s2 =	sld [smem:$0x3FA9]  }
0x29: {  	s4 =	sld [smem:$0x3FAB]  }
0x2a: {  	p0 =	seq.s32 s5, $0x0;
	s5 =	sld [smem:$0x3FAC]  }
0x2b: {  	s6 =	sld [smem:$0x3FAD]  }
0x2c: {  	s7 =	sld [smem:$0x3FAE]  }
0x2d: {  	s3 =	simm.s32 $0x108;
	s8 =	sld [smem:$0x3FAF]  }
0x2e: {  	s3 =	simm.s32 @!p0 $0x1082;
	s9 =	sld [smem:$0x3FB0]  }
0x2f: {  	lr =	sadd.s32 s0, s3;
	s0 =	sld [smem:$0x3FA7]  }
0x30: {  	s3 =	sld [smem:$0x3FAA]  }
0x31: {  	[smem:$0x3FB3] =	sst s10  }
0x32: {  	s10 =	sld [smem:$0x3FB1];
	_ =	sdelay $0x3  }
0x33: {  	p0 =	seq.s32 s10, $0x1;
	s10 =	sld [smem:$0x3FB3];
	_ =	sdelay $0x3  }
0x34: {  	[smem:$0x3FB3] =	sst s10  }
0x35: {  	s10 =	sld [smem:$0x3FB2];
	_ =	sdelay $0x3  }
0x36: {  	p1 =	seq.s32 s10, $0x1;
	s10 =	sld [smem:$0x3FB3];
	_ =	sdelay $0x3  }
0x37: {  	[smem:$0x3FB3] =	sst s10  }
0x38: {  	s10 =	sld [smem:$0x3FB4]  }
0x39: {  	_ = 	snop;
	(pc) =	sbr.ind lr, $3  }
0x3a: {  	_ = 	snop  }
0x3b: {  	_ = 	snop  }
0x3c: {  	p2 =	seq.s32 s10, $0x1;
	s10 =	sld [smem:$0x3FB3]  }
0x3d: {  	_ =	shalt  }
0x3e: {  	_ =	shalt  }
0x3f: {  	_ =	shalt  }
0x40: {  	_ =	shalt  }
0x41: {  	_ =	shalt  }
0x42: {  	_ =	shalt  }
0x43: {  	_ =	shalt  }
0x44: {  	_ =	shalt  }
0x45: {  	_ =	shalt  }
0x46: {  	_ =	shalt  }
0x47: {  	_ =	shalt  }
0x48: {  	_ =	shalt  }
0x49: {  	_ =	shalt  }
0x4a: {  	_ =	shalt  }
0x4b: {  	_ =	shalt  }
0x4c: {  	_ =	shalt  }
0x4d: {  	_ =	shalt  }
0x4e: {  	_ =	shalt  }
0x4f: {  	_ =	shalt  }
0x50: {  	_ =	shalt  }
0x51: {  	_ =	shalt  }
0x52: {  	_ =	shalt  }
0x53: {  	_ =	shalt  }
0x54: {  	_ =	shalt  }
0x55: {  	_ =	shalt  }
0x56: {  	_ =	shalt  }
0x57: {  	_ =	shalt  }
0x58: {  	_ =	shalt  }
0x59: {  	_ =	shalt  }
0x5a: {  	_ =	shalt  }
0x5b: {  	_ =	shalt  }
0x5c: {  	_ =	shalt  }
0x5d: {  	_ =	shalt  }
0x5e: {  	_ =	shalt  }
0x5f: {  	_ =	shalt  }
0x60: {  	_ =	shalt  }
0x61: {  	_ =	shalt  }
0x62: {  	_ =	shalt  }
0x63: {  	_ =	shalt  }
0x64: {  	_ =	shalt  }
0x65: {  	_ =	shalt  }
0x66: {  	_ =	shalt  }
0x67: {  	_ =	shalt  }
0x68: {  	_ =	shalt  }
0x69: {  	_ =	shalt  }
0x6a: {  	_ =	shalt  }
0x6b: {  	_ =	shalt  }
0x6c: {  	_ =	shalt  }
0x6d: {  	_ =	shalt  }
0x6e: {  	_ =	shalt  }
0x6f: {  	_ =	shalt  }
0x70: {  	_ =	shalt  }
0x71: {  	_ =	shalt  }
0x72: {  	_ =	shalt  }
0x73: {  	_ =	shalt  }
0x74: {  	_ =	shalt  }
0x75: {  	_ =	shalt  }
0x76: {  	_ =	shalt  }
0x77: {  	_ =	shalt  }
0x78: {  	_ =	shalt  }
0x79: {  	_ =	shalt  }
0x7a: {  	_ =	shalt  }
0x7b: {  	_ =	shalt  }
0x7c: {  	_ =	shalt  }
0x7d: {  	_ =	shalt  }
0x7e: {  	_ =	shalt  }
0x7f: {  	_ =	shalt  }
0x80: {  	_ =	shalt  }
0x81: {  	_ =	shalt  }
0x82: {  	_ =	shalt  }
0x83: {  	_ =	shalt  }
0x84: {  	_ =	shalt  }
0x85: {  	_ =	shalt  }
0x86: {  	_ =	shalt  }
0x87: {  	_ =	shalt  }
.Lfunc_end0:
.L_simem_size_0:
called_computation_lowered:
.L_overlay_start_0:
0x88: {  	s2 =	sld [smem:$0x3FD9]  }
0x89: {  	s3 =	sld [smem:$0x3FFE];
	_ =	sdelay $0x1  }
0x8a: {  	s1 =	srdreg.scid  }
0x8b: {  	s0 =	sand.u32 $0x1, s1  }
0x8c: {  	s17 =	sshll.u32 s0, $0xA;
	s2 =	sadd.s32 s3, s2  }
0x8d: {  	s2 =	sadd.s32 s2, s17  }
0x8e: {  	[smem:$0x3FBF] =	sst s2  }
0x8f: {  	_ = 	snop  }
0x90: {  	s2 =	sld [smem:$0x3FC7]  }
0x91: {  	s18 =	sld [smem:$0x3FD0];
	(tm) =	ssettm $0x1  }
0x92: {  	s4 =	sld [smem:$0x3FFB];
	_ =	sdelay $0x3  }
0x93: {  	_ =	strace s4  }
0x94: {  	s4 =	sld [smem:$0x3FFC];
	_ =	sdelay $0x3  }
0x95: {  	_ =	strace s4  }
0x96: {  	s4 =	sld [smem:$0x3FFD];
	_ =	sdelay $0x3  }
0x97: {  	_ =	strace s4  }
0x98: {  	_ =	strace $0x8FFFFFFF  }
0x99: {  	s19 =	sld [smem:$0x3FDB];
	_ =	sdelay $0x1  }
0x9a: {  	s5 =	simm.s32 $_scs_section_size  }
0x9b: {  	s6 =	simm.s32 $_size__tile_overlayer_lowered;
	s7 =	simm.s32 $_tile_overlayer_lowered  }
0x9c: {  	s22 =	simm.s32 $0x1BFF;
	s21 =	sshll.u32 s7, $0x1;
	s4 =	sadd.s32 s5, s19  }
0x9d: {  	s8 =	simm.s32 $0x0;
	s20 =	sshll.u32 s6, $0x1;
	s6 =	sadd.s32 s21, s4  }
0x9e: {  	[timem:s8], [sflag:s22] =	dma.local [hbm:s6], s20  }
0x9f: {  	_ =	swait.ge [sflag:s22], s20  }
0xa0: {  	s5 =	ssub.s32 $0x0, s20;
	[sflag:s22] =	ssyncset.done $0x0  }
0xa1: {  	[sflag:s22] =	ssyncadd.s32 s5;
	_ =	sdelay $0x1  }
0xa2: {  	s23 =	simm.s32 $0x1B8B  }
0xa3: {  	_ =	swait.ge [sflag:s23], $0x1  }
0xa4: {  	[sflag:s23] =	ssyncset.done $0x0  }
0xa5: {  	s25 =	simm.s32 $0x1B8E;
	s24 =	sld [smem:$0x3FFE];
	[sflag:s23] =	ssyncadd.s32 $0xFFFFFFFF  }
0xa6: {  	s26 =	simm.s32 $execute0_lowered;
	[smem:$0x3FD2] =	sst s25  }
0xa7: {  	s6 =	sshll.u32 s26, $0x1;
	_ =	strace $0x80000046;
	[dreg:$0x1] =	wrdreg $0xFFFFFFFF  }
0xa8: {  	s28 =	simm.s32 $_size_execute0_lowered;
	s4 =	sadd.s32 s4, s6;
	[dreg:$0x0] =	wrdreg $0x0  }
0xa9: {  	s6 =	sshll.u32 s28, $0x1;
	[dreg:$0x2] =	wrdreg s4  }
0xaa: {  	[dreg:$0x3] =	wrdreg s6  }
0xab: {  	[dreg:$0x4] =	wrdreg $0xC0  }
0xac: {  	_ =	task [dreg:s8], $0x5FFFF  }
0xad: {  	[dreg:$0x1] =	wrdreg $0xFFFFFFFF  }
0xae: {  	[dreg:$0x0] =	wrdreg $0x60  }
0xaf: {  	[dreg:$0x2] =	wrdreg s24  }
0xb0: {  	[dreg:$0x3] =	wrdreg s2  }
0xb1: {  	[dreg:$0x4] =	wrdreg s18  }
0xb2: {  	[dreg:$0x5] =	wrdreg $0x5800  }
0xb3: {  	[dreg:$0x6] =	wrdreg $0x9  }
0xb4: {  	_ =	task.clear_ibuf [dreg:s8], $0x7FFFF;
	_ =	strace $0x90000046  }
0xb5: {  	s29 =	simm.s32 $0x9;
	_ =	strace $0x80000048  }
0xb6: {  	_ =	swait.ge [sflag:s29], $0x1  }
0xb7: {  	[sflag:s29] =	ssyncadd.s32 $0xFFFFFFFF  }
0xb8: {  	_ =	strace $0x90000048  }
0xb9: {  	_ =	sfence  }
0xba: {  	s30 =	sld [smem:$0x0];
	_ =	sdelay $0x2  }
0xbb: {  	s31 =	sshll.u32 s1, $0xD;
	s1 =	sshrl.u32 s1, $0x2  }
0xbc: {  	s3 =	sand.u32 $0x4000, s31;
	s1 =	sadd.s32 s1, s30  }
0xbd: {  	s0 =	sor.u32 s3, s0;
	s1 =	sshll.u32 s1, $0x11  }
0xbe: {  	s0 =	sor.u32 s1, s0  }
0xbf: {  	s0 =	sadd.s32 $0x8F2B, s0  }
0xc0: {  	[sflag:s0] =	ssyncadd.remote.s32 $0x1  }
0xc1: {  	_ =	sfence.sel $0xFFFF  }
0xc2: {  	[dreg:$0x0] =	wrdreg $0xFFFFFFFF;
	(pc) =	sbr.abs _section_cstart, $3  }
0xc3: {  	[dreg:$0x1] =	wrdreg $0xFFFFFFFF  }
0xc4: {  	_ =	task.clear_ibuf [dreg:s8], $0x2FFFF;
	_ =	strace $0x9FFFFFFF  }
0xc5: {  	(tm) =	ssettm $0x7FFFFFFF  }
tec
execute0_lowered:
.L_overlay_start_1:
0x0: {  	(tag) =	ssettag $0x1  }
0x1: {  	s4 =	rddreg [dreg:$0x0]  }
0x2: {  	s5 =	rddreg [dreg:$0x1]  }
0x3: {  	s1 =	rddreg [dreg:$0x2]  }
0x4: {  	s2 =	rddreg [dreg:$0x3]  }
0x5: {  	s0 =	rddreg [dreg:$0x4];
	s6 =	srdreg.scid  }
0x6: {  	s3 =	simm.s32 $0x0;
	s8 =	stileid.u32;
	s6 =	sand.u32 $0x1, s6  }
0x7: {  	[smem:$0x7FF] =	sst s3;
	s7 =	sshll.u32 s8, $0x7;
	p0 =	sne.s32 s8, $0x0  }
0x8: {  	s8 =	simm.s32 $0x1;
	s9 =	sshll.u32 s6, $0x6;
	_ =	strace $0x80000047  }
0x9: {  	s31 =	ssub.s32 $0x2, s6;
	s6 =	sshll.u32 s6, $0x4;
	s12 =	sshrl.u32 @!p0 s2, $0x3  }
0xa: {  	s7 =	sor.u32 s9, s7;
	s11 =	sshrl.u32 s31, $0x1;
	s6 =	sadd.s32 s6, s4  }
0xb: {  	s10 =	sadd.s32 s7, s4;
	s9 =	ssub.s32 s31, s11;
	s5 =	sadd.s32 s5, s7  }
0xc: {  	s6 =	sadd.s32 $0x1E00, s6;
	s11 =	simm.s32 $0x400;
	s4 =	sadd.s32 $0x1600, s10  }
0xd: {  	v0 =	vimm.f32 $0.0e+00;
	s7 =	smax.u32 s9, $0x1;
	s9 =	simm.s32 $0x200;
	s10 =	simm.s32 $0x500  }
.LBB2_1:
0xe: {  	[tilespmem:s3], [sflag:$0x1] =	stream.linear.gather [hbm4b:s4+s3], $0x200, $0x38;
	[tilespmem:$0x590] =	vst v63  }
0xf: {  	_ =	swait.ge [sflag:s8], $0x200  }
0x10: {  	[sflag:s8] =	ssyncset.done $0x0  }
0x11: {  	[sflag:s8] =	ssyncadd.s32 $0xFFFFFE00  }
0x12: {  	[tilespmem:s9], [sflag:$0x1] =	stream.linear.gather [hbm4b:s5+s3], $0x200, $0x38;
	[tilespmem:$0x590] =	vst v63  }
0x13: {  	_ =	swait.ge [sflag:s8], $0x200  }
0x14: {  	[sflag:s8] =	ssyncset.done $0x0  }
0x15: {  	[sflag:s8] =	ssyncadd.s32 $0xFFFFFE00  }
0x16: {  	[tilespmem:s10], [sflag:$0x1] =	stream.linear.gather [hbm4b:s1+s3], $0x80, $0x38;
	[tilespmem:$0x590] =	vst v63  }
0x17: {  	_ =	swait.ge [sflag:s8], $0x80  }
0x18: {  	[sflag:s8] =	ssyncset.done $0x0  }
0x19: {  	[sflag:s8] =	ssyncadd.s32 $0xFFFFFF80  }
0x1a: {  	[tilespmem:$0x400] =	vst v0  }
0x1b: {  	[tilespmem:$0x410] =	vst v0  }
0x1c: {  	[tilespmem:$0x420] =	vst v0  }
0x1d: {  	[tilespmem:$0x430] =	vst v0  }
0x1e: {  	[tilespmem:$0x440] =	vst v0  }
0x1f: {  	[tilespmem:$0x450] =	vst v0  }
0x20: {  	[tilespmem:$0x460] =	vst v0  }
0x21: {  	[tilespmem:$0x470] =	vst v0  }
0x22: {  	[tilespmem:$0x480] =	vst v0  }
0x23: {  	[tilespmem:$0x490] =	vst v0  }
0x24: {  	[tilespmem:$0x4A0] =	vst v0  }
0x25: {  	[tilespmem:$0x4B0] =	vst v0  }
0x26: {  	[tilespmem:$0x4C0] =	vst v0  }
0x27: {  	[tilespmem:$0x4D0] =	vst v0  }
0x28: {  	[tilespmem:$0x4E0] =	vst v0  }
0x29: {  	s13 =	simm.s32 @!p0 $0x400;
	[tilespmem:$0x4F0] =	vst v0  }
0x2a: {  	[spmem:s2] =	stream.linear.scatter @!p0 [tilespmem:s13], [sflag:$0x1], $0x100, $0x38;
	[tilespmem:$0x590] =	vst v63  }
0x2b: {  	s13 =	simm.s32 @!p0 $0x1  }
0x2c: {  	_ =	swait.ge @!p0 [sflag:s13], $0x100  }
0x2d: {  	[sflag:s13] =	ssyncset.done @!p0 $0x0  }
0x2e: {  	[sflag:s13] =	ssyncadd.s32 @!p0 $0xFFFFFF00  }
0x2f: {  	[bflag:$0x0] =	sbarrier.arrive $0xFFFF  }
0x30: {  	v1 =	vld [tilespmem:$0x200];
	_ =	sdelay $0x2  }
0x31: {  	v2 =	vld [tilespmem:$0x0];
	_ =	sdelay $0x4  }
0x32: {  	[tilespmem:v1+s11+$0x0] =	vst.idx.add.f32.msk $0xffff, v2  }
0x33: {  	v1 =	vld [tilespmem:$0x210];
	_ =	sdelay $0x2  }
0x34: {  	v2 =	vld [tilespmem:$0x10];
	_ =	sdelay $0x4  }
0x35: {  	[tilespmem:v1+s11+$0x0] =	vst.idx.add.f32.msk $0xffff, v2  }
0x36: {  	v1 =	vld [tilespmem:$0x220];
	_ =	sdelay $0x2  }
0x37: {  	v2 =	vld [tilespmem:$0x20];
	_ =	sdelay $0x4  }
0x38: {  	[tilespmem:v1+s11+$0x0] =	vst.idx.add.f32.msk $0xffff, v2  }
0x39: {  	v1 =	vld [tilespmem:$0x230];
	_ =	sdelay $0x2  }
0x3a: {  	v2 =	vld [tilespmem:$0x30];
	_ =	sdelay $0x4  }
0x3b: {  	[tilespmem:v1+s11+$0x0] =	vst.idx.add.f32.msk $0xffff, v2  }
0x3c: {  	v1 =	vld [tilespmem:$0x240];
	_ =	sdelay $0x2  }
0x3d: {  	v2 =	vld [tilespmem:$0x40];
	_ =	sdelay $0x4  }
0x3e: {  	[tilespmem:v1+s11+$0x0] =	vst.idx.add.f32.msk $0xffff, v2  }
0x3f: {  	v1 =	vld [tilespmem:$0x250];
	_ =	sdelay $0x2  }
0x40: {  	v2 =	vld [tilespmem:$0x50];
	_ =	sdelay $0x4  }
0x41: {  	[tilespmem:v1+s11+$0x0] =	vst.idx.add.f32.msk $0xffff, v2  }
0x42: {  	v1 =	vld [tilespmem:$0x260];
	_ =	sdelay $0x2  }
0x43: {  	v2 =	vld [tilespmem:$0x60];
	_ =	sdelay $0x4  }
0x44: {  	[tilespmem:v1+s11+$0x0] =	vst.idx.add.f32.msk $0xffff, v2  }
0x45: {  	v1 =	vld [tilespmem:$0x270];
	_ =	sdelay $0x2  }
0x46: {  	v2 =	vld [tilespmem:$0x70];
	_ =	sdelay $0x4  }
0x47: {  	[tilespmem:v1+s11+$0x0] =	vst.idx.add.f32.msk $0xffff, v2  }
0x48: {  	v1 =	vld [tilespmem:$0x280];
	_ =	sdelay $0x2  }
0x49: {  	v2 =	vld [tilespmem:$0x80];
	_ =	sdelay $0x4  }
0x4a: {  	[tilespmem:v1+s11+$0x0] =	vst.idx.add.f32.msk $0xffff, v2  }
0x4b: {  	v1 =	vld [tilespmem:$0x290];
	_ =	sdelay $0x2  }
0x4c: {  	v2 =	vld [tilespmem:$0x90];
	_ =	sdelay $0x4  }
0x4d: {  	[tilespmem:v1+s11+$0x0] =	vst.idx.add.f32.msk $0xffff, v2  }
0x4e: {  	v1 =	vld [tilespmem:$0x2A0];
	_ =	sdelay $0x2  }
0x4f: {  	v2 =	vld [tilespmem:$0xA0];
	_ =	sdelay $0x4  }
0x50: {  	[tilespmem:v1+s11+$0x0] =	vst.idx.add.f32.msk $0xffff, v2  }
0x51: {  	v1 =	vld [tilespmem:$0x2B0];
	_ =	sdelay $0x2  }
0x52: {  	v2 =	vld [tilespmem:$0xB0];
	_ =	sdelay $0x4  }
0x53: {  	[tilespmem:v1+s11+$0x0] =	vst.idx.add.f32.msk $0xffff, v2  }
0x54: {  	v1 =	vld [tilespmem:$0x2C0];
	_ =	sdelay $0x2  }
0x55: {  	v2 =	vld [tilespmem:$0xC0];
	_ =	sdelay $0x4  }
0x56: {  	[tilespmem:v1+s11+$0x0] =	vst.idx.add.f32.msk $0xffff, v2  }
0x57: {  	v1 =	vld [tilespmem:$0x2D0];
	_ =	sdelay $0x2  }
0x58: {  	v2 =	vld [tilespmem:$0xD0];
	_ =	sdelay $0x4  }
0x59: {  	[tilespmem:v1+s11+$0x0] =	vst.idx.add.f32.msk $0xffff, v2  }
0x5a: {  	v1 =	vld [tilespmem:$0x2E0];
	_ =	sdelay $0x2  }
0x5b: {  	v2 =	vld [tilespmem:$0xE0];
	_ =	sdelay $0x4  }
0x5c: {  	[tilespmem:v1+s11+$0x0] =	vst.idx.add.f32.msk $0xffff, v2  }
0x5d: {  	v1 =	vld [tilespmem:$0x2F0];
	_ =	sdelay $0x2  }
0x5e: {  	v2 =	vld [tilespmem:$0xF0];
	_ =	sdelay $0x4  }
0x5f: {  	[tilespmem:v1+s11+$0x0] =	vst.idx.add.f32.msk $0xffff, v2  }
0x60: {  	v1 =	vld [tilespmem:$0x300];
	_ =	sdelay $0x2  }
0x61: {  	v2 =	vld [tilespmem:$0x100];
	_ =	sdelay $0x4  }
0x62: {  	[tilespmem:v1+s11+$0x0] =	vst.idx.add.f32.msk $0xffff, v2  }
0x63: {  	v1 =	vld [tilespmem:$0x310];
	_ =	sdelay $0x2  }
0x64: {  	v2 =	vld [tilespmem:$0x110];
	_ =	sdelay $0x4  }
0x65: {  	[tilespmem:v1+s11+$0x0] =	vst.idx.add.f32.msk $0xffff, v2  }
0x66: {  	v1 =	vld [tilespmem:$0x320];
	_ =	sdelay $0x2  }
0x67: {  	v2 =	vld [tilespmem:$0x120];
	_ =	sdelay $0x4  }
0x68: {  	[tilespmem:v1+s11+$0x0] =	vst.idx.add.f32.msk $0xffff, v2  }
0x69: {  	v1 =	vld [tilespmem:$0x330];
	_ =	sdelay $0x2  }
0x6a: {  	v2 =	vld [tilespmem:$0x130];
	_ =	sdelay $0x4  }
0x6b: {  	[tilespmem:v1+s11+$0x0] =	vst.idx.add.f32.msk $0xffff, v2  }
0x6c: {  	v1 =	vld [tilespmem:$0x340];
	_ =	sdelay $0x2  }
0x6d: {  	v2 =	vld [tilespmem:$0x140];
	_ =	sdelay $0x4  }
0x6e: {  	[tilespmem:v1+s11+$0x0] =	vst.idx.add.f32.msk $0xffff, v2  }
0x6f: {  	v1 =	vld [tilespmem:$0x350];
	_ =	sdelay $0x2  }
0x70: {  	v2 =	vld [tilespmem:$0x150];
	_ =	sdelay $0x4  }
0x71: {  	[tilespmem:v1+s11+$0x0] =	vst.idx.add.f32.msk $0xffff, v2  }
0x72: {  	v1 =	vld [tilespmem:$0x360];
	_ =	sdelay $0x2  }
0x73: {  	v2 =	vld [tilespmem:$0x160];
	_ =	sdelay $0x4  }
0x74: {  	[tilespmem:v1+s11+$0x0] =	vst.idx.add.f32.msk $0xffff, v2  }
0x75: {  	v1 =	vld [tilespmem:$0x370];
	_ =	sdelay $0x2  }
0x76: {  	v2 =	vld [tilespmem:$0x170];
	_ =	sdelay $0x4  }
0x77: {  	[tilespmem:v1+s11+$0x0] =	vst.idx.add.f32.msk $0xffff, v2  }
0x78: {  	v1 =	vld [tilespmem:$0x380];
	_ =	sdelay $0x2  }
0x79: {  	v2 =	vld [tilespmem:$0x180];
	_ =	sdelay $0x4  }
0x7a: {  	[tilespmem:v1+s11+$0x0] =	vst.idx.add.f32.msk $0xffff, v2  }
0x7b: {  	v1 =	vld [tilespmem:$0x390];
	_ =	sdelay $0x2  }
0x7c: {  	v2 =	vld [tilespmem:$0x190];
	_ =	sdelay $0x4  }
0x7d: {  	[tilespmem:v1+s11+$0x0] =	vst.idx.add.f32.msk $0xffff, v2  }
0x7e: {  	v1 =	vld [tilespmem:$0x3A0];
	_ =	sdelay $0x2  }
0x7f: {  	v2 =	vld [tilespmem:$0x1A0];
	_ =	sdelay $0x4  }
0x80: {  	[tilespmem:v1+s11+$0x0] =	vst.idx.add.f32.msk $0xffff, v2  }
0x81: {  	v1 =	vld [tilespmem:$0x3B0];
	_ =	sdelay $0x2  }
0x82: {  	v2 =	vld [tilespmem:$0x1B0];
	_ =	sdelay $0x4  }
0x83: {  	[tilespmem:v1+s11+$0x0] =	vst.idx.add.f32.msk $0xffff, v2  }
0x84: {  	v1 =	vld [tilespmem:$0x3C0];
	_ =	sdelay $0x2  }
0x85: {  	v2 =	vld [tilespmem:$0x1C0];
	_ =	sdelay $0x4  }
0x86: {  	[tilespmem:v1+s11+$0x0] =	vst.idx.add.f32.msk $0xffff, v2  }
0x87: {  	v1 =	vld [tilespmem:$0x3D0];
	_ =	sdelay $0x2  }
0x88: {  	v2 =	vld [tilespmem:$0x1D0];
	_ =	sdelay $0x4  }
0x89: {  	[tilespmem:v1+s11+$0x0] =	vst.idx.add.f32.msk $0xffff, v2  }
0x8a: {  	v1 =	vld [tilespmem:$0x3E0];
	_ =	sdelay $0x2  }
0x8b: {  	v2 =	vld [tilespmem:$0x1E0];
	_ =	sdelay $0x4  }
0x8c: {  	[tilespmem:v1+s11+$0x0] =	vst.idx.add.f32.msk $0xffff, v2  }
0x8d: {  	v1 =	vld [tilespmem:$0x3F0];
	_ =	sdelay $0x2  }
0x8e: {  	v2 =	vld [tilespmem:$0x1F0];
	_ =	sdelay $0x4  }
0x8f: {  	[tilespmem:v1+s11+$0x0] =	vst.idx.add.f32.msk $0xffff, v2  }
0x90: {  	[spmem:s2] =	stream.indirect.scatter.add.f32 [tilespmem:s11], [sflag:$0x1], $0x100, s10, s8, $0xb8;
	[tilespmem:$0x590] =	vst v63  }
0x91: {  	_ =	swait.ge [sflag:s8], $0x100  }
0x92: {  	s14 =	simm.s32 @!p0 $0x20;
	s7 =	sadd.s32 $0xFFFFFFFF, s7;
	[sflag:s8] =	ssyncset.done $0x0  }
0x93: {  	s15 =	simm.s32 @!p0 $0x10;
	p1 =	sne.s32 s7, $0x0;
	[sflag:s8] =	ssyncadd.s32 $0xFFFFFF00  }
.Ltmp0:
0x94: {  	s16 =	simm.s32 @!p0 $0x1C01;
	[bflag:$0x0] =	sbarrier.arrive $0xFFFF;
	(pc) =	sbr.rel @p1 .LBB2_1-.Ltmp0, $4  }
0x95: {  	[hbm:s6@s14], [sflag:s16] =	dma.strided @!p0 [spmem:s12@s15], $0x20, s13, $0x10   }
0x96: {  	_ =	swait.ge @!p0 [sflag:s13], $0x20  }
0x97: {  	[sflag:s13] =	ssyncset.done @!p0 $0x0  }
0x98: {  	[sflag:s13] =	ssyncadd.s32 @!p0 $0xFFFFFFE0  }
0x99: {  	_ =	sfence.sel $0x180000  }
0x9a: {  	[bflag:$0x0] =	sbarrier.arrive $0xFFFF  }
0x9b: {  	_ =	strace $0x90000047  }
0x9c: {  	s0 =	sadd.s32 @!p0 $0x100000, s0;
	[bflag:$0x2] =	sbarrier.arrive $0xFFFF  }
0x9d: {  	[sflag:s0] =	ssyncadd.tile.s32 @!p0 $0x1;
	_ =	shalt  }
.Lfunc_end2:
_tile_overlayer_lowered:
.L_overlay_start_2:
0x9e: {  	(tag) =	ssettag $0x2  }
0x9f: {  	s0 =	rddreg [dreg:$0x0];
	s2 =	stileid.u32  }
0xa0: {  	s1 =	rddreg [dreg:$0x1];
	p0 =	sne.s32 s2, $0x0  }
0xa1: {  	s3 =	rddreg [dreg:$0x2];
	[bflag:$0x3] =	sbarrier.arrive $0xFFFF;
	s2 =	simm.s32 @!p0 $0x1C01  }
0xa2: {  	[timem:s3], [sflag:s2] =	dma.local @!p0 [hbm:s0], s1  }
0xa3: {  	s0 =	simm.s32 @!p0 $0x1  }
0xa4: {  	_ =	swait.ge @!p0 [sflag:s0], s1  }
0xa5: {  	s1 =	ssub.s32 @!p0 $0x0, s1;
	[sflag:s0] =	ssyncset.done @!p0 $0x0  }
0xa6: {  	[sflag:s0] =	ssyncadd.s32 @!p0 s1  }
0xa7: {  	[bflag:$0x3] =	sbarrier.arrive $0xFFFF  }
0xa8: {  	_ =	shalt  }

</sc_bundles>
